<compile_context>
chip_gen: v7x
topology: tpu7x:2x2x1
jax: 0.10.2.dev20260603
libtpu: 0.0.44.dev20260713+nightly
codegen_flags: <defaults>
</compile_context>

<pallas_src>
import dataclasses
import functools

import numpy as np

import jax
import jax.numpy as jnp
from jax import lax
from jax.experimental import pallas as pl
from jax.experimental.pallas import tpu as pltpu
from jax.experimental.pallas import tpu_sc as plsc

NC = 2
NS = 16
NW = NC * NS
L = 16

CHUNK = 128

def _sc_compiler_params(tc_tiling=None):
    cp = pltpu.CompilerParams()
    if "needs_layout_passes" in pltpu.CompilerParams.__dataclass_fields__:
        cp = dataclasses.replace(cp, needs_layout_passes=False)
    if tc_tiling is not None:
        cp = dataclasses.replace(cp, use_tc_tiling_on_sc=tc_tiling)
    return cp


@functools.lru_cache(maxsize=None)
def _sc_mesh():
    return plsc.VectorSubcoreMesh(
        core_axis_name="c", subcore_axis_name="s", num_cores=NC, num_subcores=NS
    )


def _make_deg_kernel(NP, E):
    EW = E // NW

    @functools.partial(
        pl.kernel,
        out_type=jax.ShapeDtypeStruct((NW * NP,), jnp.float32),
        mesh=_sc_mesh(),
        scratch_types=[
            pltpu.VMEM((EW,), jnp.int32),
            pltpu.VMEM((NP,), jnp.float32),
        ],
        compiler_params=_sc_compiler_params(tc_tiling=False),
    )
    def deg_kernel(ei_hbm, out_hbm, dstv, hist):
        cid = lax.axis_index("c")
        sid = lax.axis_index("s")
        wid = cid * NS + sid
        pltpu.sync_copy(ei_hbm.at[1, pl.ds(wid * EW, EW)], dstv)

        zeros = jnp.zeros((L,), jnp.float32)

        @pl.loop(0, NP // L)
        def _(i):
            hist[pl.ds(i * L, L)] = zeros

        ones = jnp.full((L,), 1.0, jnp.float32)

        @pl.loop(0, EW // L)
        def _(i):
            idx = dstv[pl.ds(i * L, L)]
            plsc.addupdate_scatter(hist, [idx], ones)

        pltpu.sync_copy(hist, out_hbm.at[pl.ds(wid * NP, NP)])

    return deg_kernel


def _make_agg_kernel(ACC_ROWS, W, CPW):
    NBUF = 8
    ZR = ACC_ROWS // NS
    EW = CPW * CHUNK

    @functools.partial(
        pl.kernel,
        out_type=jax.ShapeDtypeStruct((NC, ACC_ROWS, W), jnp.float32),
        mesh=_sc_mesh(),
        scratch_types=[
            pltpu.VMEM((CPW, CHUNK), jnp.int32),
            pltpu.VMEM((CPW * CHUNK,), jnp.int32),
            [pltpu.VMEM((CHUNK, W), jnp.float32) for _ in range(NBUF)],
            pltpu.VMEM_SHARED((ACC_ROWS, W), jnp.float32),
            [pltpu.SemaphoreType.DMA for _ in range(NBUF)],
        ],
        compiler_params=_sc_compiler_params(tc_tiling=False),
    )
    def agg_kernel(rows_hbm, src_hbm, dst_hbm, zeros_hbm, out_hbm,
                   dstv, srcv, bufs, acc, sems):
        cid = lax.axis_index("c")
        sid = lax.axis_index("s")
        wid = cid * NS + sid

        pltpu.sync_copy(zeros_hbm.at[pl.ds(sid * ZR, ZR)],
                        acc.at[pl.ds(sid * ZR, ZR)])
        pltpu.sync_copy(src_hbm.at[pl.ds(wid * EW, EW)], srcv)
        pltpu.sync_copy(dst_hbm.at[pl.ds(wid * CPW, CPW)], dstv)
        plsc.subcore_barrier()

        def start_gather(j, b):
            pltpu.async_copy(rows_hbm.at[srcv.at[pl.ds(j * CHUNK, CHUNK)]],
                             bufs[b], sems[b])

        def wait_gather(b):
            pltpu.make_async_copy(rows_hbm.at[pl.ds(0, CHUNK)], bufs[b],
                                  sems[b]).wait()

        def scatter(j, b):
            pltpu.sync_copy(bufs[b], acc.at[dstv.at[j]], add=True)

        for b in range(NBUF):
            start_gather(b, b)

        @pl.loop(0, CPW, step=NBUF)
        def _(j):
            for b in range(NBUF):
                wait_gather(b)
                scatter(j + b, b)

                @pl.when(j + NBUF + b < CPW)
                def _():
                    start_gather(j + NBUF + b, b)

        plsc.subcore_barrier()

        pltpu.sync_copy(acc.at[pl.ds(sid * ZR, ZR)],
                        out_hbm.at[cid, pl.ds(sid * ZR, ZR)])

    return agg_kernel


def _matmul_tc(x, w, blk):
    N, D = x.shape
    H = w.shape[1]

    def body(x_ref, w_ref, o_ref):
        o_ref[...] = jnp.dot(x_ref[...], w_ref[...],
                             preferred_element_type=jnp.float32)

    return pl.pallas_call(
        body,
        grid=(-(-N // blk),),
        in_specs=[
            pl.BlockSpec((blk, D), lambda i: (i, 0)),
            pl.BlockSpec((D, H), lambda i: (0, 0)),
        ],
        out_specs=pl.BlockSpec((blk, H), lambda i: (i, 0)),
        out_shape=jax.ShapeDtypeStruct((N, H), jnp.float32),
    )(x, w)


def _dis_scale_tc(hist, h, out_rows):
    NWH, NP = hist.shape
    N, H = h.shape
    blk = 2048

    def body(hist_ref, h_ref, dis_ref, h1_ref):
        deg = jnp.sum(hist_ref[...], axis=0) + 1.0
        dis = lax.rsqrt(deg)[:, None]
        dis_ref[...] = dis
        h1_ref[...] = dis * h_ref[...]

    return pl.pallas_call(
        body,
        grid=(-(-NP // blk),),
        in_specs=[
            pl.BlockSpec((NWH, blk), lambda i: (0, i)),
            pl.BlockSpec((blk, H), lambda i: (i, 0)),
        ],
        out_specs=[
            pl.BlockSpec((blk, 1), lambda i: (i, 0)),
            pl.BlockSpec((blk, H), lambda i: (i, 0)),
        ],
        out_shape=[
            jax.ShapeDtypeStruct((NP, 1), jnp.float32),
            jax.ShapeDtypeStruct((out_rows, H), jnp.float32),
        ],
    )(hist, h)


def _stage_c_tc(acc, h1, dis, b1, w2, blk, out_rows):
    N = out_rows
    H = h1.shape[1]
    C = w2.shape[1]

    def body(acc_ref, h1_ref, dis_ref, b1_ref, w2_ref, g1_ref):
        s = acc_ref[0] + acc_ref[1] + h1_ref[...]
        z = dis_ref[...] * s + b1_ref[...]
        r = jnp.maximum(z, 0.0)
        g1_ref[...] = dis_ref[...] * jnp.dot(
            r, w2_ref[...], preferred_element_type=jnp.float32)

    return pl.pallas_call(
        body,
        grid=(-(-N // blk),),
        in_specs=[
            pl.BlockSpec((2, blk, H), lambda i: (0, i, 0)),
            pl.BlockSpec((blk, H), lambda i: (i, 0)),
            pl.BlockSpec((blk, 1), lambda i: (i, 0)),
            pl.BlockSpec((1, H), lambda i: (0, 0)),
            pl.BlockSpec((H, C), lambda i: (0, 0)),
        ],
        out_specs=pl.BlockSpec((blk, C), lambda i: (i, 0)),
        out_shape=jax.ShapeDtypeStruct((N, C), jnp.float32),
    )(acc, h1, dis, b1, w2)


def _stage_d_tc(acc, g1, dis, b2, blk, out_rows):
    N = out_rows
    C = g1.shape[1]

    def body(acc_ref, g1_ref, dis_ref, b2_ref, o_ref):
        o_ref[...] = dis_ref[...] * (acc_ref[0] + acc_ref[1] + g1_ref[...]) \
            + b2_ref[...]

    return pl.pallas_call(
        body,
        grid=(-(-N // blk),),
        in_specs=[
            pl.BlockSpec((2, blk, C), lambda i: (0, i, 0)),
            pl.BlockSpec((blk, C), lambda i: (i, 0)),
            pl.BlockSpec((blk, 1), lambda i: (i, 0)),
            pl.BlockSpec((1, C), lambda i: (0, 0)),
        ],
        out_specs=pl.BlockSpec((blk, C), lambda i: (i, 0)),
        out_shape=jax.ShapeDtypeStruct((N, C), jnp.float32),
    )(acc, g1, dis, b2)


def kernel(x, edge_index, W1, b1, W2, b2):
    N, D = x.shape
    H = W1.shape[1]
    C = W2.shape[1]
    E = edge_index.shape[1]
    BLK = 2048

    src = edge_index[0]
    dst = edge_index[1]

    ew = E // NW
    cpw = -(-(-(-ew // CHUNK)) // 8) * 8
    pad = cpw * CHUNK * NW - E
    acc_rows = -(-(N + 8) // 128) * 128
    pad_src = jnp.asarray((np.arange(pad) * 37) % N, jnp.int32)
    pad_dst = jnp.asarray(N + np.arange(pad) % (acc_rows - N), jnp.int32)
    src_p = jnp.concatenate([src, pad_src])
    dst2d = jnp.concatenate([dst, pad_dst]).reshape(cpw * NW, CHUNK)

    zeros_h = jnp.zeros((acc_rows, H), jnp.float32)
    zeros_c = jnp.zeros((acc_rows, C), jnp.float32)

    NP = -(-N // 1024) * 1024
    hist = _make_deg_kernel(NP, E)(edge_index).reshape(NW, NP)
    h = _matmul_tc(x, W1, BLK)

    dis, h1 = _dis_scale_tc(hist, h, N)

    agg_h = _make_agg_kernel(acc_rows, H, cpw)
    acc1 = agg_h(h1, src_p, dst2d, zeros_h)

    g1 = _stage_c_tc(acc1, h1, dis, b1.reshape(1, H), W2, BLK, N)

    agg_c = _make_agg_kernel(acc_rows, C, cpw)
    acc2 = agg_c(g1, src_p, dst2d, zeros_c)

    return _stage_d_tc(acc2, g1, dis, b2.reshape(1, C), BLK, N)

# --- scband reference (transcript-rebuilt; emitter-appended) ---
"""Pipeline reference for scband-gcn-46523085750847 (READ-ONLY COPY).

The authoritative reference and input builder live on the scoring server;
editing this copy changes nothing except your own understanding.
"""

import jax, jax.numpy as jnp
import numpy as np

N = 10000
E = 320000
D = 128
H = 32
C = 16


def setup_inputs(seed: int = 0) -> dict:
    key = jax.random.key(seed)
    k1, k2, k3, k4, k5, k6 = jax.random.split(key, 6)
    x = jax.random.normal(k1, (N, D), dtype=jnp.float32)
    edge_index = jax.random.randint(k2, (2, E), 0, N, dtype=jnp.int32)
    W1 = jax.random.normal(k3, (D, H), dtype=jnp.float32) * (1.0 / np.sqrt(D))
    b1 = jnp.zeros((H,), dtype=jnp.float32)
    W2 = jax.random.normal(k4, (H, C), dtype=jnp.float32) * (1.0 / np.sqrt(H))
    b2 = jnp.zeros((C,), dtype=jnp.float32)
    return {"x": x, "edge_index": edge_index, "W1": W1, "b1": b1, "W2": W2, "b2": b2}


def _gcn_conv(x, edge_index, W, b):
    # Faithful PyG GCNConv: linear transform, add self-loops, symmetric
    # degree normalization, scatter-add aggregation by dst, then bias.
    src = edge_index[0]
    dst = edge_index[1]
    loop = jnp.arange(N, dtype=src.dtype)
    src = jnp.concatenate([src, loop])
    dst = jnp.concatenate([dst, loop])
    ones = jnp.ones(src.shape[0], dtype=x.dtype)
    deg = jax.ops.segment_sum(ones, dst, num_segments=N)
    deg_inv_sqrt = jnp.where(deg > 0, jax.lax.rsqrt(deg), 0.0)
    norm = deg_inv_sqrt[src] * deg_inv_sqrt[dst]
    h = x @ W
    msg = norm[:, None] * jnp.take(h, src, axis=0)
    out = jax.ops.segment_sum(msg, dst, num_segments=N)
    return out + b


def reference(x, edge_index, W1, b1, W2, b2):
    h = _gcn_conv(x, edge_index, W1, b1)
    h = jax.nn.relu(h)
    # F.dropout is identity in eval mode (deterministic reference)
    out = _gcn_conv(h, edge_index, W2, b2)
    return out

if __name__ == "__main__":
    import jax
    _d = setup_inputs()
    print(jax.jit(kernel)(*tuple(_d.values())))

</pallas_src>

<mosaic_0001>
#map = affine_map<(d0, d1) -> (0, 0)>
#map1 = affine_map<(d0, d1) -> (0)>
#map2 = affine_map<(d0, d1) -> (0, 0, 0)>
module attributes {stable_mosaic.version = 14 : i64} {
  func.func @agg_kernel(%arg0: i32, %arg1: i32, %arg2: memref<10000x16xf32, #tpu.memory_space<hbm>>, %arg3: memref<327680xi32, #tpu.memory_space<hbm>>, %arg4: memref<2560x128xi32, #tpu.memory_space<hbm>>, %arg5: memref<10112x16xf32, #tpu.memory_space<hbm>>, %arg6: memref<2x10112x16xf32, #tpu.memory_space<hbm>>, %arg7: memref<80x128xi32, #tpu.memory_space<vmem>>, %arg8: memref<10240xi32, #tpu.memory_space<vmem>>, %arg9: memref<128x16xf32, #tpu.memory_space<vmem>>, %arg10: memref<128x16xf32, #tpu.memory_space<vmem>>, %arg11: memref<128x16xf32, #tpu.memory_space<vmem>>, %arg12: memref<128x16xf32, #tpu.memory_space<vmem>>, %arg13: memref<128x16xf32, #tpu.memory_space<vmem>>, %arg14: memref<128x16xf32, #tpu.memory_space<vmem>>, %arg15: memref<128x16xf32, #tpu.memory_space<vmem>>, %arg16: memref<128x16xf32, #tpu.memory_space<vmem>>, %arg17: memref<10112x16xf32, #tpu.memory_space<vmem_shared>>, %arg18: memref<!tpu.dma_semaphore, #tpu.memory_space<semaphore_mem>>, %arg19: memref<!tpu.dma_semaphore, #tpu.memory_space<semaphore_mem>>, %arg20: memref<!tpu.dma_semaphore, #tpu.memory_space<semaphore_mem>>, %arg21: memref<!tpu.dma_semaphore, #tpu.memory_space<semaphore_mem>>, %arg22: memref<!tpu.dma_semaphore, #tpu.memory_space<semaphore_mem>>, %arg23: memref<!tpu.dma_semaphore, #tpu.memory_space<semaphore_mem>>, %arg24: memref<!tpu.dma_semaphore, #tpu.memory_space<semaphore_mem>>, %arg25: memref<!tpu.dma_semaphore, #tpu.memory_space<semaphore_mem>>) attributes {dimension_semantics = [#tpu.dimension_semantics<core_parallel>, #tpu.dimension_semantics<subcore_parallel>], iteration_bounds = array<i64: 2, 16>, scalar_prefetch = 0 : i64, scratch_operands = 19 : i64, tpu.core_type = #tpu.core_type<sc_vector_subcore>, window_params = [{transform_indices = #map}, {transform_indices = #map1}, {transform_indices = #map}, {transform_indices = #map}, {transform_indices = #map2}]} {
    %mul3A = arith.constant 16 : i32
    %mul3A_0 = arith.muli %arg0, %mul3A : i32
    %add3A = arith.addi %mul3A_0, %arg1 : i32
    %mul3A_1 = arith.constant 632 : i32
    %mul3A_2 = arith.muli %arg1, %mul3A_1 : i32
    %mul3A_3 = arith.constant 632 : i32
    %mul3A_4 = arith.muli %arg1, %mul3A_3 : i32
    "tpu.region"() ({
      %run_scoped3A = tpu.sem_alloc : memref<!tpu.dma_semaphore, #tpu.memory_space<semaphore_mem>>
      %dma_start3A_57 = arith.constant 0 : i32
      %dma_start3A_58 = tpu.memref_slice %arg17[%mul3A_4, %dma_start3A_57] : memref<10112x16xf32, #tpu.memory_space<vmem_shared>> -> memref<632x16xf32, #tpu.memory_space<vmem_shared>>
      %dma_start3A_59 = arith.constant 0 : i32
      %dma_start3A_60 = tpu.memref_slice %arg5[%mul3A_2, %dma_start3A_59] : memref<10112x16xf32, #tpu.memory_space<hbm>> -> memref<632x16xf32, #tpu.memory_space<hbm>>
      tpu.enqueue_dma source(%dma_start3A_60 : memref<632x16xf32, #tpu.memory_space<hbm>>) target(%dma_start3A_58 : memref<632x16xf32, #tpu.memory_space<vmem_shared>>) target_semaphore(%run_scoped3A : memref<!tpu.dma_semaphore, #tpu.memory_space<semaphore_mem>>)
      %dma_wait3A = arith.constant 0 : i32
      %dma_wait3A_61 = tpu.memref_slice %arg17[%mul3A_4, %dma_wait3A] : memref<10112x16xf32, #tpu.memory_space<vmem_shared>> -> memref<632x16xf32, #tpu.memory_space<vmem_shared>>
      %dma_wait3A_62 = arith.constant 0 : i32
      %dma_wait3A_63 = tpu.memref_slice %arg5[%mul3A_2, %dma_wait3A_62] : memref<10112x16xf32, #tpu.memory_space<hbm>> -> memref<632x16xf32, #tpu.memory_space<hbm>>
      tpu.wait_dma2 semaphore(%run_scoped3A : memref<!tpu.dma_semaphore, #tpu.memory_space<semaphore_mem>>) src(%dma_wait3A_63 : memref<632x16xf32, #tpu.memory_space<hbm>>) dst(%dma_wait3A_61 : memref<632x16xf32, #tpu.memory_space<vmem_shared>>)
      tpu.yield
    }) : () -> ()
    %mul3A_5 = arith.constant 10240 : i32
    %mul3A_6 = arith.muli %add3A, %mul3A_5 : i32
    "tpu.region"() ({
      %run_scoped3A = tpu.sem_alloc : memref<!tpu.dma_semaphore, #tpu.memory_space<semaphore_mem>>
      %dma_start3A_57 = tpu.memref_slice %arg3[%mul3A_6] : memref<327680xi32, #tpu.memory_space<hbm>> -> memref<10240xi32, #tpu.memory_space<hbm>>
      %dma_start3A_58 = tpu.memref_slice %arg3[%mul3A_6] : memref<327680xi32, #tpu.memory_space<hbm>> -> memref<10240xi32, #tpu.memory_space<hbm>>
      tpu.enqueue_dma source(%dma_start3A_58 : memref<10240xi32, #tpu.memory_space<hbm>>) target(%arg8 : memref<10240xi32, #tpu.memory_space<vmem>>) target_semaphore(%run_scoped3A : memref<!tpu.dma_semaphore, #tpu.memory_space<semaphore_mem>>)
      %dma_wait3A = tpu.memref_slice %arg3[%mul3A_6] : memref<327680xi32, #tpu.memory_space<hbm>> -> memref<10240xi32, #tpu.memory_space<hbm>>
      %dma_wait3A_59 = tpu.memref_slice %arg3[%mul3A_6] : memref<327680xi32, #tpu.memory_space<hbm>> -> memref<10240xi32, #tpu.memory_space<hbm>>
      tpu.wait_dma2 semaphore(%run_scoped3A : memref<!tpu.dma_semaphore, #tpu.memory_space<semaphore_mem>>) src(%dma_wait3A_59 : memref<10240xi32, #tpu.memory_space<hbm>>) dst(%arg8 : memref<10240xi32, #tpu.memory_space<vmem>>)
      tpu.yield
    }) : () -> ()
    %mul3A_7 = arith.constant 80 : i32
    %mul3A_8 = arith.muli %add3A, %mul3A_7 : i32
    "tpu.region"() ({
      %run_scoped3A = tpu.sem_alloc : memref<!tpu.dma_semaphore, #tpu.memory_space<semaphore_mem>>
      %dma_start3A_57 = arith.constant 0 : i32
      %dma_start3A_58 = tpu.memref_slice %arg4[%mul3A_8, %dma_start3A_57] : memref<2560x128xi32, #tpu.memory_space<hbm>> -> memref<80x128xi32, #tpu.memory_space<hbm>>
      %dma_start3A_59 = arith.constant 0 : i32
      %dma_start3A_60 = tpu.memref_slice %arg4[%mul3A_8, %dma_start3A_59] : memref<2560x128xi32, #tpu.memory_space<hbm>> -> memref<80x128xi32, #tpu.memory_space<hbm>>
      tpu.enqueue_dma source(%dma_start3A_60 : memref<80x128xi32, #tpu.memory_space<hbm>>) target(%arg7 : memref<80x128xi32, #tpu.memory_space<vmem>>) target_semaphore(%run_scoped3A : memref<!tpu.dma_semaphore, #tpu.memory_space<semaphore_mem>>)
      %dma_wait3A = arith.constant 0 : i32
      %dma_wait3A_61 = tpu.memref_slice %arg4[%mul3A_8, %dma_wait3A] : memref<2560x128xi32, #tpu.memory_space<hbm>> -> memref<80x128xi32, #tpu.memory_space<hbm>>
      %dma_wait3A_62 = arith.constant 0 : i32
      %dma_wait3A_63 = tpu.memref_slice %arg4[%mul3A_8, %dma_wait3A_62] : memref<2560x128xi32, #tpu.memory_space<hbm>> -> memref<80x128xi32, #tpu.memory_space<hbm>>
      tpu.wait_dma2 semaphore(%run_scoped3A : memref<!tpu.dma_semaphore, #tpu.memory_space<semaphore_mem>>) src(%dma_wait3A_63 : memref<80x128xi32, #tpu.memory_space<hbm>>) dst(%arg7 : memref<80x128xi32, #tpu.memory_space<vmem>>)
      tpu.yield
    }) : () -> ()
    %barrier3A = arith.constant 0 : index
    tpu.barrier barrier_id(%barrier3A)
    %dma_start3A = arith.constant 0 : i32
    %dma_start3A_9 = tpu.memref_slice %arg8[%dma_start3A] : memref<10240xi32, #tpu.memory_space<vmem>> -> memref<128xi32, #tpu.memory_space<vmem>>
    %dma_start3A_10 = arith.constant 0 : i32
    %dma_start3A_11 = arith.constant 0 : i32
    %dma_start3A_12 = tpu.memref_slice %arg2[%dma_start3A_10, %dma_start3A_11] : memref<10000x16xf32, #tpu.memory_space<hbm>> -> memref<10000x16xf32, #tpu.memory_space<hbm>>
    tpu.enqueue_indirect_dma source(%dma_start3A_12 : memref<10000x16xf32, #tpu.memory_space<hbm>>) target(%arg9 : memref<128x16xf32, #tpu.memory_space<vmem>>) offsets(%dma_start3A_9 : memref<128xi32, #tpu.memory_space<vmem>>) semaphore(%arg18 : memref<!tpu.dma_semaphore, #tpu.memory_space<semaphore_mem>>)
    %dma_start3A_13 = arith.constant 128 : i32
    %dma_start3A_14 = tpu.memref_slice %arg8[%dma_start3A_13] : memref<10240xi32, #tpu.memory_space<vmem>> -> memref<128xi32, #tpu.memory_space<vmem>>
    %dma_start3A_15 = arith.constant 0 : i32
    %dma_start3A_16 = arith.constant 0 : i32
    %dma_start3A_17 = tpu.memref_slice %arg2[%dma_start3A_15, %dma_start3A_16] : memref<10000x16xf32, #tpu.memory_space<hbm>> -> memref<10000x16xf32, #tpu.memory_space<hbm>>
    tpu.enqueue_indirect_dma source(%dma_start3A_17 : memref<10000x16xf32, #tpu.memory_space<hbm>>) target(%arg10 : memref<128x16xf32, #tpu.memory_space<vmem>>) offsets(%dma_start3A_14 : memref<128xi32, #tpu.memory_space<vmem>>) semaphore(%arg19 : memref<!tpu.dma_semaphore, #tpu.memory_space<semaphore_mem>>)
    %dma_start3A_18 = arith.constant 256 : i32
    %dma_start3A_19 = tpu.memref_slice %arg8[%dma_start3A_18] : memref<10240xi32, #tpu.memory_space<vmem>> -> memref<128xi32, #tpu.memory_space<vmem>>
    %dma_start3A_20 = arith.constant 0 : i32
    %dma_start3A_21 = arith.constant 0 : i32
    %dma_start3A_22 = tpu.memref_slice %arg2[%dma_start3A_20, %dma_start3A_21] : memref<10000x16xf32, #tpu.memory_space<hbm>> -> memref<10000x16xf32, #tpu.memory_space<hbm>>
    tpu.enqueue_indirect_dma source(%dma_start3A_22 : memref<10000x16xf32, #tpu.memory_space<hbm>>) target(%arg11 : memref<128x16xf32, #tpu.memory_space<vmem>>) offsets(%dma_start3A_19 : memref<128xi32, #tpu.memory_space<vmem>>) semaphore(%arg20 : memref<!tpu.dma_semaphore, #tpu.memory_space<semaphore_mem>>)
    %dma_start3A_23 = arith.constant 384 : i32
    %dma_start3A_24 = tpu.memref_slice %arg8[%dma_start3A_23] : memref<10240xi32, #tpu.memory_space<vmem>> -> memref<128xi32, #tpu.memory_space<vmem>>
    %dma_start3A_25 = arith.constant 0 : i32
    %dma_start3A_26 = arith.constant 0 : i32
    %dma_start3A_27 = tpu.memref_slice %arg2[%dma_start3A_25, %dma_start3A_26] : memref<10000x16xf32, #tpu.memory_space<hbm>> -> memref<10000x16xf32, #tpu.memory_space<hbm>>
    tpu.enqueue_indirect_dma source(%dma_start3A_27 : memref<10000x16xf32, #tpu.memory_space<hbm>>) target(%arg12 : memref<128x16xf32, #tpu.memory_space<vmem>>) offsets(%dma_start3A_24 : memref<128xi32, #tpu.memory_space<vmem>>) semaphore(%arg21 : memref<!tpu.dma_semaphore, #tpu.memory_space<semaphore_mem>>)
    %dma_start3A_28 = arith.constant 512 : i32
    %dma_start3A_29 = tpu.memref_slice %arg8[%dma_start3A_28] : memref<10240xi32, #tpu.memory_space<vmem>> -> memref<128xi32, #tpu.memory_space<vmem>>
    %dma_start3A_30 = arith.constant 0 : i32
    %dma_start3A_31 = arith.constant 0 : i32
    %dma_start3A_32 = tpu.memref_slice %arg2[%dma_start3A_30, %dma_start3A_31] : memref<10000x16xf32, #tpu.memory_space<hbm>> -> memref<10000x16xf32, #tpu.memory_space<hbm>>
    tpu.enqueue_indirect_dma source(%dma_start3A_32 : memref<10000x16xf32, #tpu.memory_space<hbm>>) target(%arg13 : memref<128x16xf32, #tpu.memory_space<vmem>>) offsets(%dma_start3A_29 : memref<128xi32, #tpu.memory_space<vmem>>) semaphore(%arg22 : memref<!tpu.dma_semaphore, #tpu.memory_space<semaphore_mem>>)
    %dma_start3A_33 = arith.constant 640 : i32
    %dma_start3A_34 = tpu.memref_slice %arg8[%dma_start3A_33] : memref<10240xi32, #tpu.memory_space<vmem>> -> memref<128xi32, #tpu.memory_space<vmem>>
    %dma_start3A_35 = arith.constant 0 : i32
    %dma_start3A_36 = arith.constant 0 : i32
    %dma_start3A_37 = tpu.memref_slice %arg2[%dma_start3A_35, %dma_start3A_36] : memref<10000x16xf32, #tpu.memory_space<hbm>> -> memref<10000x16xf32, #tpu.memory_space<hbm>>
    tpu.enqueue_indirect_dma source(%dma_start3A_37 : memref<10000x16xf32, #tpu.memory_space<hbm>>) target(%arg14 : memref<128x16xf32, #tpu.memory_space<vmem>>) offsets(%dma_start3A_34 : memref<128xi32, #tpu.memory_space<vmem>>) semaphore(%arg23 : memref<!tpu.dma_semaphore, #tpu.memory_space<semaphore_mem>>)
    %dma_start3A_38 = arith.constant 768 : i32
    %dma_start3A_39 = tpu.memref_slice %arg8[%dma_start3A_38] : memref<10240xi32, #tpu.memory_space<vmem>> -> memref<128xi32, #tpu.memory_space<vmem>>
    %dma_start3A_40 = arith.constant 0 : i32
    %dma_start3A_41 = arith.constant 0 : i32
    %dma_start3A_42 = tpu.memref_slice %arg2[%dma_start3A_40, %dma_start3A_41] : memref<10000x16xf32, #tpu.memory_space<hbm>> -> memref<10000x16xf32, #tpu.memory_space<hbm>>
    tpu.enqueue_indirect_dma source(%dma_start3A_42 : memref<10000x16xf32, #tpu.memory_space<hbm>>) target(%arg15 : memref<128x16xf32, #tpu.memory_space<vmem>>) offsets(%dma_start3A_39 : memref<128xi32, #tpu.memory_space<vmem>>) semaphore(%arg24 : memref<!tpu.dma_semaphore, #tpu.memory_space<semaphore_mem>>)
    %dma_start3A_43 = arith.constant 896 : i32
    %dma_start3A_44 = tpu.memref_slice %arg8[%dma_start3A_43] : memref<10240xi32, #tpu.memory_space<vmem>> -> memref<128xi32, #tpu.memory_space<vmem>>
    %dma_start3A_45 = arith.constant 0 : i32
    %dma_start3A_46 = arith.constant 0 : i32
    %dma_start3A_47 = tpu.memref_slice %arg2[%dma_start3A_45, %dma_start3A_46] : memref<10000x16xf32, #tpu.memory_space<hbm>> -> memref<10000x16xf32, #tpu.memory_space<hbm>>
    tpu.enqueue_indirect_dma source(%dma_start3A_47 : memref<10000x16xf32, #tpu.memory_space<hbm>>) target(%arg16 : memref<128x16xf32, #tpu.memory_space<vmem>>) offsets(%dma_start3A_44 : memref<128xi32, #tpu.memory_space<vmem>>) semaphore(%arg25 : memref<!tpu.dma_semaphore, #tpu.memory_space<semaphore_mem>>)
    %scan3A = arith.constant 0 : i32
    %scan3A_48 = arith.constant 10 : i32
    %scan3A_49 = arith.addi %scan3A, %scan3A_48 : i32
    %scan3A_50 = arith.constant 1 : i32
    scf.for %scan3A_57 = %scan3A to %scan3A_49 step %scan3A_50  : i32 {
      %mul3A_58 = arith.constant 8 : i32
      %mul3A_59 = arith.muli %scan3A_57, %mul3A_58 : i32
      %add3A_60 = arith.constant 0 : i32
      %add3A_61 = arith.addi %add3A_60, %mul3A_59 : i32
      %dma_wait3A = arith.constant 0 : i32
      %dma_wait3A_62 = arith.constant 0 : i32
      %dma_wait3A_63 = tpu.memref_slice %arg2[%dma_wait3A, %dma_wait3A_62] : memref<10000x16xf32, #tpu.memory_space<hbm>> -> memref<128x16xf32, #tpu.memory_space<hbm>>
      %dma_wait3A_64 = arith.constant 0 : i32
      %dma_wait3A_65 = arith.constant 0 : i32
      %dma_wait3A_66 = tpu.memref_slice %arg2[%dma_wait3A_64, %dma_wait3A_65] : memref<10000x16xf32, #tpu.memory_space<hbm>> -> memref<128x16xf32, #tpu.memory_space<hbm>>
      tpu.wait_dma2 semaphore(%arg18 : memref<!tpu.dma_semaphore, #tpu.memory_space<semaphore_mem>>) src(%dma_wait3A_66 : memref<128x16xf32, #tpu.memory_space<hbm>>) dst(%arg9 : memref<128x16xf32, #tpu.memory_space<vmem>>)
      %add3A_67 = arith.constant 0 : i32
      %add3A_68 = arith.addi %add3A_61, %add3A_67 : i32
      "tpu.region"() ({
        %run_scoped3A = tpu.sem_alloc : memref<!tpu.dma_semaphore, #tpu.memory_space<semaphore_mem>>
        %dma_start3A_194 = arith.constant 0 : i32
        %dma_start3A_195 = tpu.memref_slice %arg7[%add3A_68, %dma_start3A_194] : memref<80x128xi32, #tpu.memory_space<vmem>> -> memref<1x128xi32, #tpu.memory_space<vmem>>
        %dma_start3A_196 = tpu.memref_squeeze %dma_start3A_195 : memref<1x128xi32, #tpu.memory_space<vmem>> -> memref<128xi32, #tpu.memory_space<vmem>>
        %dma_start3A_197 = arith.constant 0 : i32
        %dma_start3A_198 = arith.constant 0 : i32
        %dma_start3A_199 = tpu.memref_slice %arg17[%dma_start3A_197, %dma_start3A_198] : memref<10112x16xf32, #tpu.memory_space<vmem_shared>> -> memref<10112x16xf32, #tpu.memory_space<vmem_shared>>
        tpu.enqueue_indirect_dma source(%arg9 : memref<128x16xf32, #tpu.memory_space<vmem>>) target(%dma_start3A_199 : memref<10112x16xf32, #tpu.memory_space<vmem_shared>>) offsets(%dma_start3A_196 : memref<128xi32, #tpu.memory_space<vmem>>) semaphore(%run_scoped3A : memref<!tpu.dma_semaphore, #tpu.memory_space<semaphore_mem>>) {add = true}
        %dma_wait3A_200 = arith.constant 0 : i32
        %dma_wait3A_201 = tpu.memref_slice %arg7[%add3A_68, %dma_wait3A_200] : memref<80x128xi32, #tpu.memory_space<vmem>> -> memref<1x128xi32, #tpu.memory_space<vmem>>
        %dma_wait3A_202 = tpu.memref_squeeze %dma_wait3A_201 : memref<1x128xi32, #tpu.memory_space<vmem>> -> memref<128xi32, #tpu.memory_space<vmem>>
        %dma_wait3A_203 = arith.constant 0 : i32
        %dma_wait3A_204 = arith.constant 0 : i32
        %dma_wait3A_205 = tpu.memref_slice %arg17[%dma_wait3A_203, %dma_wait3A_204] : memref<10112x16xf32, #tpu.memory_space<vmem_shared>> -> memref<10112x16xf32, #tpu.memory_space<vmem_shared>>
        tpu.wait_indirect_dma semaphore(%run_scoped3A : memref<!tpu.dma_semaphore, #tpu.memory_space<semaphore_mem>>) src(%arg9 : memref<128x16xf32, #tpu.memory_space<vmem>>) dst(%dma_wait3A_205 : memref<10112x16xf32, #tpu.memory_space<vmem_shared>>)
        tpu.yield
      }) : () -> ()
      %add3A_69 = arith.constant 8 : i32
      %add3A_70 = arith.addi %add3A_61, %add3A_69 : i32
      %add3A_71 = arith.constant 0 : i32
      %add3A_72 = arith.addi %add3A_70, %add3A_71 : i32
      %lt3A = arith.constant 80 : i32
      %lt3A_73 = arith.cmpi slt, %add3A_72, %lt3A : i32
      %convert_element_type3A = arith.extui %lt3A_73 : i1 to i32
      %cond3A = arith.constant 0 : i32
      %cond3A_74 = arith.cmpi ne, %convert_element_type3A, %cond3A : i32
      scf.if %cond3A_74 {
        %add3A_194 = arith.constant 8 : i32
        %add3A_195 = arith.addi %add3A_61, %add3A_194 : i32
        %add3A_196 = arith.constant 0 : i32
        %add3A_197 = arith.addi %add3A_195, %add3A_196 : i32
        %mul3A_198 = arith.constant 128 : i32
        %mul3A_199 = arith.muli %add3A_197, %mul3A_198 : i32
        %dma_start3A_200 = tpu.memref_slice %arg8[%mul3A_199] : memref<10240xi32, #tpu.memory_space<vmem>> -> memref<128xi32, #tpu.memory_space<vmem>>
        %dma_start3A_201 = arith.constant 0 : i32
        %dma_start3A_202 = arith.constant 0 : i32
        %dma_start3A_203 = tpu.memref_slice %arg2[%dma_start3A_201, %dma_start3A_202] : memref<10000x16xf32, #tpu.memory_space<hbm>> -> memref<10000x16xf32, #tpu.memory_space<hbm>>
        tpu.enqueue_indirect_dma source(%dma_start3A_203 : memref<10000x16xf32, #tpu.memory_space<hbm>>) target(%arg9 : memref<128x16xf32, #tpu.memory_space<vmem>>) offsets(%dma_start3A_200 : memref<128xi32, #tpu.memory_space<vmem>>) semaphore(%arg18 : memref<!tpu.dma_semaphore, #tpu.memory_space<semaphore_mem>>)
      } else {
      }
      %dma_wait3A_75 = arith.constant 0 : i32
      %dma_wait3A_76 = arith.constant 0 : i32
      %dma_wait3A_77 = tpu.memref_slice %arg2[%dma_wait3A_75, %dma_wait3A_76] : memref<10000x16xf32, #tpu.memory_space<hbm>> -> memref<128x16xf32, #tpu.memory_space<hbm>>
      %dma_wait3A_78 = arith.constant 0 : i32
      %dma_wait3A_79 = arith.constant 0 : i32
      %dma_wait3A_80 = tpu.memref_slice %arg2[%dma_wait3A_78, %dma_wait3A_79] : memref<10000x16xf32, #tpu.memory_space<hbm>> -> memref<128x16xf32, #tpu.memory_space<hbm>>
      tpu.wait_dma2 semaphore(%arg19 : memref<!tpu.dma_semaphore, #tpu.memory_space<semaphore_mem>>) src(%dma_wait3A_80 : memref<128x16xf32, #tpu.memory_space<hbm>>) dst(%arg10 : memref<128x16xf32, #tpu.memory_space<vmem>>)
      %add3A_81 = arith.constant 1 : i32
      %add3A_82 = arith.addi %add3A_61, %add3A_81 : i32
      "tpu.region"() ({
        %run_scoped3A = tpu.sem_alloc : memref<!tpu.dma_semaphore, #tpu.memory_space<semaphore_mem>>
        %dma_start3A_194 = arith.constant 0 : i32
        %dma_start3A_195 = tpu.memref_slice %arg7[%add3A_82, %dma_start3A_194] : memref<80x128xi32, #tpu.memory_space<vmem>> -> memref<1x128xi32, #tpu.memory_space<vmem>>
        %dma_start3A_196 = tpu.memref_squeeze %dma_start3A_195 : memref<1x128xi32, #tpu.memory_space<vmem>> -> memref<128xi32, #tpu.memory_space<vmem>>
        %dma_start3A_197 = arith.constant 0 : i32
        %dma_start3A_198 = arith.constant 0 : i32
        %dma_start3A_199 = tpu.memref_slice %arg17[%dma_start3A_197, %dma_start3A_198] : memref<10112x16xf32, #tpu.memory_space<vmem_shared>> -> memref<10112x16xf32, #tpu.memory_space<vmem_shared>>
        tpu.enqueue_indirect_dma source(%arg10 : memref<128x16xf32, #tpu.memory_space<vmem>>) target(%dma_start3A_199 : memref<10112x16xf32, #tpu.memory_space<vmem_shared>>) offsets(%dma_start3A_196 : memref<128xi32, #tpu.memory_space<vmem>>) semaphore(%run_scoped3A : memref<!tpu.dma_semaphore, #tpu.memory_space<semaphore_mem>>) {add = true}
        %dma_wait3A_200 = arith.constant 0 : i32
        %dma_wait3A_201 = tpu.memref_slice %arg7[%add3A_82, %dma_wait3A_200] : memref<80x128xi32, #tpu.memory_space<vmem>> -> memref<1x128xi32, #tpu.memory_space<vmem>>
        %dma_wait3A_202 = tpu.memref_squeeze %dma_wait3A_201 : memref<1x128xi32, #tpu.memory_space<vmem>> -> memref<128xi32, #tpu.memory_space<vmem>>
        %dma_wait3A_203 = arith.constant 0 : i32
        %dma_wait3A_204 = arith.constant 0 : i32
        %dma_wait3A_205 = tpu.memref_slice %arg17[%dma_wait3A_203, %dma_wait3A_204] : memref<10112x16xf32, #tpu.memory_space<vmem_shared>> -> memref<10112x16xf32, #tpu.memory_space<vmem_shared>>
        tpu.wait_indirect_dma semaphore(%run_scoped3A : memref<!tpu.dma_semaphore, #tpu.memory_space<semaphore_mem>>) src(%arg10 : memref<128x16xf32, #tpu.memory_space<vmem>>) dst(%dma_wait3A_205 : memref<10112x16xf32, #tpu.memory_space<vmem_shared>>)
        tpu.yield
      }) : () -> ()
      %add3A_83 = arith.constant 8 : i32
      %add3A_84 = arith.addi %add3A_61, %add3A_83 : i32
      %add3A_85 = arith.constant 1 : i32
      %add3A_86 = arith.addi %add3A_84, %add3A_85 : i32
      %lt3A_87 = arith.constant 80 : i32
      %lt3A_88 = arith.cmpi slt, %add3A_86, %lt3A_87 : i32
      %convert_element_type3A_89 = arith.extui %lt3A_88 : i1 to i32
      %cond3A_90 = arith.constant 0 : i32
      %cond3A_91 = arith.cmpi ne, %convert_element_type3A_89, %cond3A_90 : i32
      scf.if %cond3A_91 {
        %add3A_194 = arith.constant 8 : i32
        %add3A_195 = arith.addi %add3A_61, %add3A_194 : i32
        %add3A_196 = arith.constant 1 : i32
        %add3A_197 = arith.addi %add3A_195, %add3A_196 : i32
        %mul3A_198 = arith.constant 128 : i32
        %mul3A_199 = arith.muli %add3A_197, %mul3A_198 : i32
        %dma_start3A_200 = tpu.memref_slice %arg8[%mul3A_199] : memref<10240xi32, #tpu.memory_space<vmem>> -> memref<128xi32, #tpu.memory_space<vmem>>
        %dma_start3A_201 = arith.constant 0 : i32
        %dma_start3A_202 = arith.constant 0 : i32
        %dma_start3A_203 = tpu.memref_slice %arg2[%dma_start3A_201, %dma_start3A_202] : memref<10000x16xf32, #tpu.memory_space<hbm>> -> memref<10000x16xf32, #tpu.memory_space<hbm>>
        tpu.enqueue_indirect_dma source(%dma_start3A_203 : memref<10000x16xf32, #tpu.memory_space<hbm>>) target(%arg10 : memref<128x16xf32, #tpu.memory_space<vmem>>) offsets(%dma_start3A_200 : memref<128xi32, #tpu.memory_space<vmem>>) semaphore(%arg19 : memref<!tpu.dma_semaphore, #tpu.memory_space<semaphore_mem>>)
      } else {
      }
      %dma_wait3A_92 = arith.constant 0 : i32
      %dma_wait3A_93 = arith.constant 0 : i32
      %dma_wait3A_94 = tpu.memref_slice %arg2[%dma_wait3A_92, %dma_wait3A_93] : memref<10000x16xf32, #tpu.memory_space<hbm>> -> memref<128x16xf32, #tpu.memory_space<hbm>>
      %dma_wait3A_95 = arith.constant 0 : i32
      %dma_wait3A_96 = arith.constant 0 : i32
      %dma_wait3A_97 = tpu.memref_slice %arg2[%dma_wait3A_95, %dma_wait3A_96] : memref<10000x16xf32, #tpu.memory_space<hbm>> -> memref<128x16xf32, #tpu.memory_space<hbm>>
      tpu.wait_dma2 semaphore(%arg20 : memref<!tpu.dma_semaphore, #tpu.memory_space<semaphore_mem>>) src(%dma_wait3A_97 : memref<128x16xf32, #tpu.memory_space<hbm>>) dst(%arg11 : memref<128x16xf32, #tpu.memory_space<vmem>>)
      %add3A_98 = arith.constant 2 : i32
      %add3A_99 = arith.addi %add3A_61, %add3A_98 : i32
      "tpu.region"() ({
        %run_scoped3A = tpu.sem_alloc : memref<!tpu.dma_semaphore, #tpu.memory_space<semaphore_mem>>
        %dma_start3A_194 = arith.constant 0 : i32
        %dma_start3A_195 = tpu.memref_slice %arg7[%add3A_99, %dma_start3A_194] : memref<80x128xi32, #tpu.memory_space<vmem>> -> memref<1x128xi32, #tpu.memory_space<vmem>>
        %dma_start3A_196 = tpu.memref_squeeze %dma_start3A_195 : memref<1x128xi32, #tpu.memory_space<vmem>> -> memref<128xi32, #tpu.memory_space<vmem>>
        %dma_start3A_197 = arith.constant 0 : i32
        %dma_start3A_198 = arith.constant 0 : i32
        %dma_start3A_199 = tpu.memref_slice %arg17[%dma_start3A_197, %dma_start3A_198] : memref<10112x16xf32, #tpu.memory_space<vmem_shared>> -> memref<10112x16xf32, #tpu.memory_space<vmem_shared>>
        tpu.enqueue_indirect_dma source(%arg11 : memref<128x16xf32, #tpu.memory_space<vmem>>) target(%dma_start3A_199 : memref<10112x16xf32, #tpu.memory_space<vmem_shared>>) offsets(%dma_start3A_196 : memref<128xi32, #tpu.memory_space<vmem>>) semaphore(%run_scoped3A : memref<!tpu.dma_semaphore, #tpu.memory_space<semaphore_mem>>) {add = true}
        %dma_wait3A_200 = arith.constant 0 : i32
        %dma_wait3A_201 = tpu.memref_slice %arg7[%add3A_99, %dma_wait3A_200] : memref<80x128xi32, #tpu.memory_space<vmem>> -> memref<1x128xi32, #tpu.memory_space<vmem>>
        %dma_wait3A_202 = tpu.memref_squeeze %dma_wait3A_201 : memref<1x128xi32, #tpu.memory_space<vmem>> -> memref<128xi32, #tpu.memory_space<vmem>>
        %dma_wait3A_203 = arith.constant 0 : i32
        %dma_wait3A_204 = arith.constant 0 : i32
        %dma_wait3A_205 = tpu.memref_slice %arg17[%dma_wait3A_203, %dma_wait3A_204] : memref<10112x16xf32, #tpu.memory_space<vmem_shared>> -> memref<10112x16xf32, #tpu.memory_space<vmem_shared>>
        tpu.wait_indirect_dma semaphore(%run_scoped3A : memref<!tpu.dma_semaphore, #tpu.memory_space<semaphore_mem>>) src(%arg11 : memref<128x16xf32, #tpu.memory_space<vmem>>) dst(%dma_wait3A_205 : memref<10112x16xf32, #tpu.memory_space<vmem_shared>>)
        tpu.yield
      }) : () -> ()
      %add3A_100 = arith.constant 8 : i32
      %add3A_101 = arith.addi %add3A_61, %add3A_100 : i32
      %add3A_102 = arith.constant 2 : i32
      %add3A_103 = arith.addi %add3A_101, %add3A_102 : i32
      %lt3A_104 = arith.constant 80 : i32
      %lt3A_105 = arith.cmpi slt, %add3A_103, %lt3A_104 : i32
      %convert_element_type3A_106 = arith.extui %lt3A_105 : i1 to i32
      %cond3A_107 = arith.constant 0 : i32
      %cond3A_108 = arith.cmpi ne, %convert_element_type3A_106, %cond3A_107 : i32
      scf.if %cond3A_108 {
        %add3A_194 = arith.constant 8 : i32
        %add3A_195 = arith.addi %add3A_61, %add3A_194 : i32
        %add3A_196 = arith.constant 2 : i32
        %add3A_197 = arith.addi %add3A_195, %add3A_196 : i32
        %mul3A_198 = arith.constant 128 : i32
        %mul3A_199 = arith.muli %add3A_197, %mul3A_198 : i32
        %dma_start3A_200 = tpu.memref_slice %arg8[%mul3A_199] : memref<10240xi32, #tpu.memory_space<vmem>> -> memref<128xi32, #tpu.memory_space<vmem>>
        %dma_start3A_201 = arith.constant 0 : i32
        %dma_start3A_202 = arith.constant 0 : i32
        %dma_start3A_203 = tpu.memref_slice %arg2[%dma_start3A_201, %dma_start3A_202] : memref<10000x16xf32, #tpu.memory_space<hbm>> -> memref<10000x16xf32, #tpu.memory_space<hbm>>
        tpu.enqueue_indirect_dma source(%dma_start3A_203 : memref<10000x16xf32, #tpu.memory_space<hbm>>) target(%arg11 : memref<128x16xf32, #tpu.memory_space<vmem>>) offsets(%dma_start3A_200 : memref<128xi32, #tpu.memory_space<vmem>>) semaphore(%arg20 : memref<!tpu.dma_semaphore, #tpu.memory_space<semaphore_mem>>)
      } else {
      }
      %dma_wait3A_109 = arith.constant 0 : i32
      %dma_wait3A_110 = arith.constant 0 : i32
      %dma_wait3A_111 = tpu.memref_slice %arg2[%dma_wait3A_109, %dma_wait3A_110] : memref<10000x16xf32, #tpu.memory_space<hbm>> -> memref<128x16xf32, #tpu.memory_space<hbm>>
      %dma_wait3A_112 = arith.constant 0 : i32
      %dma_wait3A_113 = arith.constant 0 : i32
      %dma_wait3A_114 = tpu.memref_slice %arg2[%dma_wait3A_112, %dma_wait3A_113] : memref<10000x16xf32, #tpu.memory_space<hbm>> -> memref<128x16xf32, #tpu.memory_space<hbm>>
      tpu.wait_dma2 semaphore(%arg21 : memref<!tpu.dma_semaphore, #tpu.memory_space<semaphore_mem>>) src(%dma_wait3A_114 : memref<128x16xf32, #tpu.memory_space<hbm>>) dst(%arg12 : memref<128x16xf32, #tpu.memory_space<vmem>>)
      %add3A_115 = arith.constant 3 : i32
      %add3A_116 = arith.addi %add3A_61, %add3A_115 : i32
      "tpu.region"() ({
        %run_scoped3A = tpu.sem_alloc : memref<!tpu.dma_semaphore, #tpu.memory_space<semaphore_mem>>
        %dma_start3A_194 = arith.constant 0 : i32
        %dma_start3A_195 = tpu.memref_slice %arg7[%add3A_116, %dma_start3A_194] : memref<80x128xi32, #tpu.memory_space<vmem>> -> memref<1x128xi32, #tpu.memory_space<vmem>>
        %dma_start3A_196 = tpu.memref_squeeze %dma_start3A_195 : memref<1x128xi32, #tpu.memory_space<vmem>> -> memref<128xi32, #tpu.memory_space<vmem>>
        %dma_start3A_197 = arith.constant 0 : i32
        %dma_start3A_198 = arith.constant 0 : i32
        %dma_start3A_199 = tpu.memref_slice %arg17[%dma_start3A_197, %dma_start3A_198] : memref<10112x16xf32, #tpu.memory_space<vmem_shared>> -> memref<10112x16xf32, #tpu.memory_space<vmem_shared>>
        tpu.enqueue_indirect_dma source(%arg12 : memref<128x16xf32, #tpu.memory_space<vmem>>) target(%dma_start3A_199 : memref<10112x16xf32, #tpu.memory_space<vmem_shared>>) offsets(%dma_start3A_196 : memref<128xi32, #tpu.memory_space<vmem>>) semaphore(%run_scoped3A : memref<!tpu.dma_semaphore, #tpu.memory_space<semaphore_mem>>) {add = true}
        %dma_wait3A_200 = arith.constant 0 : i32
        %dma_wait3A_201 = tpu.memref_slice %arg7[%add3A_116, %dma_wait3A_200] : memref<80x128xi32, #tpu.memory_space<vmem>> -> memref<1x128xi32, #tpu.memory_space<vmem>>
        %dma_wait3A_202 = tpu.memref_squeeze %dma_wait3A_201 : memref<1x128xi32, #tpu.memory_space<vmem>> -> memref<128xi32, #tpu.memory_space<vmem>>
        %dma_wait3A_203 = arith.constant 0 : i32
        %dma_wait3A_204 = arith.constant 0 : i32
        %dma_wait3A_205 = tpu.memref_slice %arg17[%dma_wait3A_203, %dma_wait3A_204] : memref<10112x16xf32, #tpu.memory_space<vmem_shared>> -> memref<10112x16xf32, #tpu.memory_space<vmem_shared>>
        tpu.wait_indirect_dma semaphore(%run_scoped3A : memref<!tpu.dma_semaphore, #tpu.memory_space<semaphore_mem>>) src(%arg12 : memref<128x16xf32, #tpu.memory_space<vmem>>) dst(%dma_wait3A_205 : memref<10112x16xf32, #tpu.memory_space<vmem_shared>>)
        tpu.yield
      }) : () -> ()
      %add3A_117 = arith.constant 8 : i32
      %add3A_118 = arith.addi %add3A_61, %add3A_117 : i32
      %add3A_119 = arith.constant 3 : i32
      %add3A_120 = arith.addi %add3A_118, %add3A_119 : i32
      %lt3A_121 = arith.constant 80 : i32
      %lt3A_122 = arith.cmpi slt, %add3A_120, %lt3A_121 : i32
      %convert_element_type3A_123 = arith.extui %lt3A_122 : i1 to i32
      %cond3A_124 = arith.constant 0 : i32
      %cond3A_125 = arith.cmpi ne, %convert_element_type3A_123, %cond3A_124 : i32
      scf.if %cond3A_125 {
        %add3A_194 = arith.constant 8 : i32
        %add3A_195 = arith.addi %add3A_61, %add3A_194 : i32
        %add3A_196 = arith.constant 3 : i32
        %add3A_197 = arith.addi %add3A_195, %add3A_196 : i32
        %mul3A_198 = arith.constant 128 : i32
        %mul3A_199 = arith.muli %add3A_197, %mul3A_198 : i32
        %dma_start3A_200 = tpu.memref_slice %arg8[%mul3A_199] : memref<10240xi32, #tpu.memory_space<vmem>> -> memref<128xi32, #tpu.memory_space<vmem>>
        %dma_start3A_201 = arith.constant 0 : i32
        %dma_start3A_202 = arith.constant 0 : i32
        %dma_start3A_203 = tpu.memref_slice %arg2[%dma_start3A_201, %dma_start3A_202] : memref<10000x16xf32, #tpu.memory_space<hbm>> -> memref<10000x16xf32, #tpu.memory_space<hbm>>
        tpu.enqueue_indirect_dma source(%dma_start3A_203 : memref<10000x16xf32, #tpu.memory_space<hbm>>) target(%arg12 : memref<128x16xf32, #tpu.memory_space<vmem>>) offsets(%dma_start3A_200 : memref<128xi32, #tpu.memory_space<vmem>>) semaphore(%arg21 : memref<!tpu.dma_semaphore, #tpu.memory_space<semaphore_mem>>)
      } else {
      }
      %dma_wait3A_126 = arith.constant 0 : i32
      %dma_wait3A_127 = arith.constant 0 : i32
      %dma_wait3A_128 = tpu.memref_slice %arg2[%dma_wait3A_126, %dma_wait3A_127] : memref<10000x16xf32, #tpu.memory_space<hbm>> -> memref<128x16xf32, #tpu.memory_space<hbm>>
      %dma_wait3A_129 = arith.constant 0 : i32
      %dma_wait3A_130 = arith.constant 0 : i32
      %dma_wait3A_131 = tpu.memref_slice %arg2[%dma_wait3A_129, %dma_wait3A_130] : memref<10000x16xf32, #tpu.memory_space<hbm>> -> memref<128x16xf32, #tpu.memory_space<hbm>>
      tpu.wait_dma2 semaphore(%arg22 : memref<!tpu.dma_semaphore, #tpu.memory_space<semaphore_mem>>) src(%dma_wait3A_131 : memref<128x16xf32, #tpu.memory_space<hbm>>) dst(%arg13 : memref<128x16xf32, #tpu.memory_space<vmem>>)
      %add3A_132 = arith.constant 4 : i32
      %add3A_133 = arith.addi %add3A_61, %add3A_132 : i32
      "tpu.region"() ({
        %run_scoped3A = tpu.sem_alloc : memref<!tpu.dma_semaphore, #tpu.memory_space<semaphore_mem>>
        %dma_start3A_194 = arith.constant 0 : i32
        %dma_start3A_195 = tpu.memref_slice %arg7[%add3A_133, %dma_start3A_194] : memref<80x128xi32, #tpu.memory_space<vmem>> -> memref<1x128xi32, #tpu.memory_space<vmem>>
        %dma_start3A_196 = tpu.memref_squeeze %dma_start3A_195 : memref<1x128xi32, #tpu.memory_space<vmem>> -> memref<128xi32, #tpu.memory_space<vmem>>
        %dma_start3A_197 = arith.constant 0 : i32
        %dma_start3A_198 = arith.constant 0 : i32
        %dma_start3A_199 = tpu.memref_slice %arg17[%dma_start3A_197, %dma_start3A_198] : memref<10112x16xf32, #tpu.memory_space<vmem_shared>> -> memref<10112x16xf32, #tpu.memory_space<vmem_shared>>
        tpu.enqueue_indirect_dma source(%arg13 : memref<128x16xf32, #tpu.memory_space<vmem>>) target(%dma_start3A_199 : memref<10112x16xf32, #tpu.memory_space<vmem_shared>>) offsets(%dma_start3A_196 : memref<128xi32, #tpu.memory_space<vmem>>) semaphore(%run_scoped3A : memref<!tpu.dma_semaphore, #tpu.memory_space<semaphore_mem>>) {add = true}
        %dma_wait3A_200 = arith.constant 0 : i32
        %dma_wait3A_201 = tpu.memref_slice %arg7[%add3A_133, %dma_wait3A_200] : memref<80x128xi32, #tpu.memory_space<vmem>> -> memref<1x128xi32, #tpu.memory_space<vmem>>
        %dma_wait3A_202 = tpu.memref_squeeze %dma_wait3A_201 : memref<1x128xi32, #tpu.memory_space<vmem>> -> memref<128xi32, #tpu.memory_space<vmem>>
        %dma_wait3A_203 = arith.constant 0 : i32
        %dma_wait3A_204 = arith.constant 0 : i32
        %dma_wait3A_205 = tpu.memref_slice %arg17[%dma_wait3A_203, %dma_wait3A_204] : memref<10112x16xf32, #tpu.memory_space<vmem_shared>> -> memref<10112x16xf32, #tpu.memory_space<vmem_shared>>
        tpu.wait_indirect_dma semaphore(%run_scoped3A : memref<!tpu.dma_semaphore, #tpu.memory_space<semaphore_mem>>) src(%arg13 : memref<128x16xf32, #tpu.memory_space<vmem>>) dst(%dma_wait3A_205 : memref<10112x16xf32, #tpu.memory_space<vmem_shared>>)
        tpu.yield
      }) : () -> ()
      %add3A_134 = arith.constant 8 : i32
      %add3A_135 = arith.addi %add3A_61, %add3A_134 : i32
      %add3A_136 = arith.constant 4 : i32
      %add3A_137 = arith.addi %add3A_135, %add3A_136 : i32
      %lt3A_138 = arith.constant 80 : i32
      %lt3A_139 = arith.cmpi slt, %add3A_137, %lt3A_138 : i32
      %convert_element_type3A_140 = arith.extui %lt3A_139 : i1 to i32
      %cond3A_141 = arith.constant 0 : i32
      %cond3A_142 = arith.cmpi ne, %convert_element_type3A_140, %cond3A_141 : i32
      scf.if %cond3A_142 {
        %add3A_194 = arith.constant 8 : i32
        %add3A_195 = arith.addi %add3A_61, %add3A_194 : i32
        %add3A_196 = arith.constant 4 : i32
        %add3A_197 = arith.addi %add3A_195, %add3A_196 : i32
        %mul3A_198 = arith.constant 128 : i32
        %mul3A_199 = arith.muli %add3A_197, %mul3A_198 : i32
        %dma_start3A_200 = tpu.memref_slice %arg8[%mul3A_199] : memref<10240xi32, #tpu.memory_space<vmem>> -> memref<128xi32, #tpu.memory_space<vmem>>
        %dma_start3A_201 = arith.constant 0 : i32
        %dma_start3A_202 = arith.constant 0 : i32
        %dma_start3A_203 = tpu.memref_slice %arg2[%dma_start3A_201, %dma_start3A_202] : memref<10000x16xf32, #tpu.memory_space<hbm>> -> memref<10000x16xf32, #tpu.memory_space<hbm>>
        tpu.enqueue_indirect_dma source(%dma_start3A_203 : memref<10000x16xf32, #tpu.memory_space<hbm>>) target(%arg13 : memref<128x16xf32, #tpu.memory_space<vmem>>) offsets(%dma_start3A_200 : memref<128xi32, #tpu.memory_space<vmem>>) semaphore(%arg22 : memref<!tpu.dma_semaphore, #tpu.memory_space<semaphore_mem>>)
      } else {
      }
      %dma_wait3A_143 = arith.constant 0 : i32
      %dma_wait3A_144 = arith.constant 0 : i32
      %dma_wait3A_145 = tpu.memref_slice %arg2[%dma_wait3A_143, %dma_wait3A_144] : memref<10000x16xf32, #tpu.memory_space<hbm>> -> memref<128x16xf32, #tpu.memory_space<hbm>>
      %dma_wait3A_146 = arith.constant 0 : i32
      %dma_wait3A_147 = arith.constant 0 : i32
      %dma_wait3A_148 = tpu.memref_slice %arg2[%dma_wait3A_146, %dma_wait3A_147] : memref<10000x16xf32, #tpu.memory_space<hbm>> -> memref<128x16xf32, #tpu.memory_space<hbm>>
      tpu.wait_dma2 semaphore(%arg23 : memref<!tpu.dma_semaphore, #tpu.memory_space<semaphore_mem>>) src(%dma_wait3A_148 : memref<128x16xf32, #tpu.memory_space<hbm>>) dst(%arg14 : memref<128x16xf32, #tpu.memory_space<vmem>>)
      %add3A_149 = arith.constant 5 : i32
      %add3A_150 = arith.addi %add3A_61, %add3A_149 : i32
      "tpu.region"() ({
        %run_scoped3A = tpu.sem_alloc : memref<!tpu.dma_semaphore, #tpu.memory_space<semaphore_mem>>
        %dma_start3A_194 = arith.constant 0 : i32
        %dma_start3A_195 = tpu.memref_slice %arg7[%add3A_150, %dma_start3A_194] : memref<80x128xi32, #tpu.memory_space<vmem>> -> memref<1x128xi32, #tpu.memory_space<vmem>>
        %dma_start3A_196 = tpu.memref_squeeze %dma_start3A_195 : memref<1x128xi32, #tpu.memory_space<vmem>> -> memref<128xi32, #tpu.memory_space<vmem>>
        %dma_start3A_197 = arith.constant 0 : i32
        %dma_start3A_198 = arith.constant 0 : i32
        %dma_start3A_199 = tpu.memref_slice %arg17[%dma_start3A_197, %dma_start3A_198] : memref<10112x16xf32, #tpu.memory_space<vmem_shared>> -> memref<10112x16xf32, #tpu.memory_space<vmem_shared>>
        tpu.enqueue_indirect_dma source(%arg14 : memref<128x16xf32, #tpu.memory_space<vmem>>) target(%dma_start3A_199 : memref<10112x16xf32, #tpu.memory_space<vmem_shared>>) offsets(%dma_start3A_196 : memref<128xi32, #tpu.memory_space<vmem>>) semaphore(%run_scoped3A : memref<!tpu.dma_semaphore, #tpu.memory_space<semaphore_mem>>) {add = true}
        %dma_wait3A_200 = arith.constant 0 : i32
        %dma_wait3A_201 = tpu.memref_slice %arg7[%add3A_150, %dma_wait3A_200] : memref<80x128xi32, #tpu.memory_space<vmem>> -> memref<1x128xi32, #tpu.memory_space<vmem>>
        %dma_wait3A_202 = tpu.memref_squeeze %dma_wait3A_201 : memref<1x128xi32, #tpu.memory_space<vmem>> -> memref<128xi32, #tpu.memory_space<vmem>>
        %dma_wait3A_203 = arith.constant 0 : i32
        %dma_wait3A_204 = arith.constant 0 : i32
        %dma_wait3A_205 = tpu.memref_slice %arg17[%dma_wait3A_203, %dma_wait3A_204] : memref<10112x16xf32, #tpu.memory_space<vmem_shared>> -> memref<10112x16xf32, #tpu.memory_space<vmem_shared>>
        tpu.wait_indirect_dma semaphore(%run_scoped3A : memref<!tpu.dma_semaphore, #tpu.memory_space<semaphore_mem>>) src(%arg14 : memref<128x16xf32, #tpu.memory_space<vmem>>) dst(%dma_wait3A_205 : memref<10112x16xf32, #tpu.memory_space<vmem_shared>>)
        tpu.yield
      }) : () -> ()
      %add3A_151 = arith.constant 8 : i32
      %add3A_152 = arith.addi %add3A_61, %add3A_151 : i32
      %add3A_153 = arith.constant 5 : i32
      %add3A_154 = arith.addi %add3A_152, %add3A_153 : i32
      %lt3A_155 = arith.constant 80 : i32
      %lt3A_156 = arith.cmpi slt, %add3A_154, %lt3A_155 : i32
      %convert_element_type3A_157 = arith.extui %lt3A_156 : i1 to i32
      %cond3A_158 = arith.constant 0 : i32
      %cond3A_159 = arith.cmpi ne, %convert_element_type3A_157, %cond3A_158 : i32
      scf.if %cond3A_159 {
        %add3A_194 = arith.constant 8 : i32
        %add3A_195 = arith.addi %add3A_61, %add3A_194 : i32
        %add3A_196 = arith.constant 5 : i32
        %add3A_197 = arith.addi %add3A_195, %add3A_196 : i32
        %mul3A_198 = arith.constant 128 : i32
        %mul3A_199 = arith.muli %add3A_197, %mul3A_198 : i32
        %dma_start3A_200 = tpu.memref_slice %arg8[%mul3A_199] : memref<10240xi32, #tpu.memory_space<vmem>> -> memref<128xi32, #tpu.memory_space<vmem>>
        %dma_start3A_201 = arith.constant 0 : i32
        %dma_start3A_202 = arith.constant 0 : i32
        %dma_start3A_203 = tpu.memref_slice %arg2[%dma_start3A_201, %dma_start3A_202] : memref<10000x16xf32, #tpu.memory_space<hbm>> -> memref<10000x16xf32, #tpu.memory_space<hbm>>
        tpu.enqueue_indirect_dma source(%dma_start3A_203 : memref<10000x16xf32, #tpu.memory_space<hbm>>) target(%arg14 : memref<128x16xf32, #tpu.memory_space<vmem>>) offsets(%dma_start3A_200 : memref<128xi32, #tpu.memory_space<vmem>>) semaphore(%arg23 : memref<!tpu.dma_semaphore, #tpu.memory_space<semaphore_mem>>)
      } else {
      }
      %dma_wait3A_160 = arith.constant 0 : i32
      %dma_wait3A_161 = arith.constant 0 : i32
      %dma_wait3A_162 = tpu.memref_slice %arg2[%dma_wait3A_160, %dma_wait3A_161] : memref<10000x16xf32, #tpu.memory_space<hbm>> -> memref<128x16xf32, #tpu.memory_space<hbm>>
      %dma_wait3A_163 = arith.constant 0 : i32
      %dma_wait3A_164 = arith.constant 0 : i32
      %dma_wait3A_165 = tpu.memref_slice %arg2[%dma_wait3A_163, %dma_wait3A_164] : memref<10000x16xf32, #tpu.memory_space<hbm>> -> memref<128x16xf32, #tpu.memory_space<hbm>>
      tpu.wait_dma2 semaphore(%arg24 : memref<!tpu.dma_semaphore, #tpu.memory_space<semaphore_mem>>) src(%dma_wait3A_165 : memref<128x16xf32, #tpu.memory_space<hbm>>) dst(%arg15 : memref<128x16xf32, #tpu.memory_space<vmem>>)
      %add3A_166 = arith.constant 6 : i32
      %add3A_167 = arith.addi %add3A_61, %add3A_166 : i32
      "tpu.region"() ({
        %run_scoped3A = tpu.sem_alloc : memref<!tpu.dma_semaphore, #tpu.memory_space<semaphore_mem>>
        %dma_start3A_194 = arith.constant 0 : i32
        %dma_start3A_195 = tpu.memref_slice %arg7[%add3A_167, %dma_start3A_194] : memref<80x128xi32, #tpu.memory_space<vmem>> -> memref<1x128xi32, #tpu.memory_space<vmem>>
        %dma_start3A_196 = tpu.memref_squeeze %dma_start3A_195 : memref<1x128xi32, #tpu.memory_space<vmem>> -> memref<128xi32, #tpu.memory_space<vmem>>
        %dma_start3A_197 = arith.constant 0 : i32
        %dma_start3A_198 = arith.constant 0 : i32
        %dma_start3A_199 = tpu.memref_slice %arg17[%dma_start3A_197, %dma_start3A_198] : memref<10112x16xf32, #tpu.memory_space<vmem_shared>> -> memref<10112x16xf32, #tpu.memory_space<vmem_shared>>
        tpu.enqueue_indirect_dma source(%arg15 : memref<128x16xf32, #tpu.memory_space<vmem>>) target(%dma_start3A_199 : memref<10112x16xf32, #tpu.memory_space<vmem_shared>>) offsets(%dma_start3A_196 : memref<128xi32, #tpu.memory_space<vmem>>) semaphore(%run_scoped3A : memref<!tpu.dma_semaphore, #tpu.memory_space<semaphore_mem>>) {add = true}
        %dma_wait3A_200 = arith.constant 0 : i32
        %dma_wait3A_201 = tpu.memref_slice %arg7[%add3A_167, %dma_wait3A_200] : memref<80x128xi32, #tpu.memory_space<vmem>> -> memref<1x128xi32, #tpu.memory_space<vmem>>
        %dma_wait3A_202 = tpu.memref_squeeze %dma_wait3A_201 : memref<1x128xi32, #tpu.memory_space<vmem>> -> memref<128xi32, #tpu.memory_space<vmem>>
        %dma_wait3A_203 = arith.constant 0 : i32
        %dma_wait3A_204 = arith.constant 0 : i32
        %dma_wait3A_205 = tpu.memref_slice %arg17[%dma_wait3A_203, %dma_wait3A_204] : memref<10112x16xf32, #tpu.memory_space<vmem_shared>> -> memref<10112x16xf32, #tpu.memory_space<vmem_shared>>
        tpu.wait_indirect_dma semaphore(%run_scoped3A : memref<!tpu.dma_semaphore, #tpu.memory_space<semaphore_mem>>) src(%arg15 : memref<128x16xf32, #tpu.memory_space<vmem>>) dst(%dma_wait3A_205 : memref<10112x16xf32, #tpu.memory_space<vmem_shared>>)
        tpu.yield
      }) : () -> ()
      %add3A_168 = arith.constant 8 : i32
      %add3A_169 = arith.addi %add3A_61, %add3A_168 : i32
      %add3A_170 = arith.constant 6 : i32
      %add3A_171 = arith.addi %add3A_169, %add3A_170 : i32
      %lt3A_172 = arith.constant 80 : i32
      %lt3A_173 = arith.cmpi slt, %add3A_171, %lt3A_172 : i32
      %convert_element_type3A_174 = arith.extui %lt3A_173 : i1 to i32
      %cond3A_175 = arith.constant 0 : i32
      %cond3A_176 = arith.cmpi ne, %convert_element_type3A_174, %cond3A_175 : i32
      scf.if %cond3A_176 {
        %add3A_194 = arith.constant 8 : i32
        %add3A_195 = arith.addi %add3A_61, %add3A_194 : i32
        %add3A_196 = arith.constant 6 : i32
        %add3A_197 = arith.addi %add3A_195, %add3A_196 : i32
        %mul3A_198 = arith.constant 128 : i32
        %mul3A_199 = arith.muli %add3A_197, %mul3A_198 : i32
        %dma_start3A_200 = tpu.memref_slice %arg8[%mul3A_199] : memref<10240xi32, #tpu.memory_space<vmem>> -> memref<128xi32, #tpu.memory_space<vmem>>
        %dma_start3A_201 = arith.constant 0 : i32
        %dma_start3A_202 = arith.constant 0 : i32
        %dma_start3A_203 = tpu.memref_slice %arg2[%dma_start3A_201, %dma_start3A_202] : memref<10000x16xf32, #tpu.memory_space<hbm>> -> memref<10000x16xf32, #tpu.memory_space<hbm>>
        tpu.enqueue_indirect_dma source(%dma_start3A_203 : memref<10000x16xf32, #tpu.memory_space<hbm>>) target(%arg15 : memref<128x16xf32, #tpu.memory_space<vmem>>) offsets(%dma_start3A_200 : memref<128xi32, #tpu.memory_space<vmem>>) semaphore(%arg24 : memref<!tpu.dma_semaphore, #tpu.memory_space<semaphore_mem>>)
      } else {
      }
      %dma_wait3A_177 = arith.constant 0 : i32
      %dma_wait3A_178 = arith.constant 0 : i32
      %dma_wait3A_179 = tpu.memref_slice %arg2[%dma_wait3A_177, %dma_wait3A_178] : memref<10000x16xf32, #tpu.memory_space<hbm>> -> memref<128x16xf32, #tpu.memory_space<hbm>>
      %dma_wait3A_180 = arith.constant 0 : i32
      %dma_wait3A_181 = arith.constant 0 : i32
      %dma_wait3A_182 = tpu.memref_slice %arg2[%dma_wait3A_180, %dma_wait3A_181] : memref<10000x16xf32, #tpu.memory_space<hbm>> -> memref<128x16xf32, #tpu.memory_space<hbm>>
      tpu.wait_dma2 semaphore(%arg25 : memref<!tpu.dma_semaphore, #tpu.memory_space<semaphore_mem>>) src(%dma_wait3A_182 : memref<128x16xf32, #tpu.memory_space<hbm>>) dst(%arg16 : memref<128x16xf32, #tpu.memory_space<vmem>>)
      %add3A_183 = arith.constant 7 : i32
      %add3A_184 = arith.addi %add3A_61, %add3A_183 : i32
      "tpu.region"() ({
        %run_scoped3A = tpu.sem_alloc : memref<!tpu.dma_semaphore, #tpu.memory_space<semaphore_mem>>
        %dma_start3A_194 = arith.constant 0 : i32
        %dma_start3A_195 = tpu.memref_slice %arg7[%add3A_184, %dma_start3A_194] : memref<80x128xi32, #tpu.memory_space<vmem>> -> memref<1x128xi32, #tpu.memory_space<vmem>>
        %dma_start3A_196 = tpu.memref_squeeze %dma_start3A_195 : memref<1x128xi32, #tpu.memory_space<vmem>> -> memref<128xi32, #tpu.memory_space<vmem>>
        %dma_start3A_197 = arith.constant 0 : i32
        %dma_start3A_198 = arith.constant 0 : i32
        %dma_start3A_199 = tpu.memref_slice %arg17[%dma_start3A_197, %dma_start3A_198] : memref<10112x16xf32, #tpu.memory_space<vmem_shared>> -> memref<10112x16xf32, #tpu.memory_space<vmem_shared>>
        tpu.enqueue_indirect_dma source(%arg16 : memref<128x16xf32, #tpu.memory_space<vmem>>) target(%dma_start3A_199 : memref<10112x16xf32, #tpu.memory_space<vmem_shared>>) offsets(%dma_start3A_196 : memref<128xi32, #tpu.memory_space<vmem>>) semaphore(%run_scoped3A : memref<!tpu.dma_semaphore, #tpu.memory_space<semaphore_mem>>) {add = true}
        %dma_wait3A_200 = arith.constant 0 : i32
        %dma_wait3A_201 = tpu.memref_slice %arg7[%add3A_184, %dma_wait3A_200] : memref<80x128xi32, #tpu.memory_space<vmem>> -> memref<1x128xi32, #tpu.memory_space<vmem>>
        %dma_wait3A_202 = tpu.memref_squeeze %dma_wait3A_201 : memref<1x128xi32, #tpu.memory_space<vmem>> -> memref<128xi32, #tpu.memory_space<vmem>>
        %dma_wait3A_203 = arith.constant 0 : i32
        %dma_wait3A_204 = arith.constant 0 : i32
        %dma_wait3A_205 = tpu.memref_slice %arg17[%dma_wait3A_203, %dma_wait3A_204] : memref<10112x16xf32, #tpu.memory_space<vmem_shared>> -> memref<10112x16xf32, #tpu.memory_space<vmem_shared>>
        tpu.wait_indirect_dma semaphore(%run_scoped3A : memref<!tpu.dma_semaphore, #tpu.memory_space<semaphore_mem>>) src(%arg16 : memref<128x16xf32, #tpu.memory_space<vmem>>) dst(%dma_wait3A_205 : memref<10112x16xf32, #tpu.memory_space<vmem_shared>>)
        tpu.yield
      }) : () -> ()
      %add3A_185 = arith.constant 8 : i32
      %add3A_186 = arith.addi %add3A_61, %add3A_185 : i32
      %add3A_187 = arith.constant 7 : i32
      %add3A_188 = arith.addi %add3A_186, %add3A_187 : i32
      %lt3A_189 = arith.constant 80 : i32
      %lt3A_190 = arith.cmpi slt, %add3A_188, %lt3A_189 : i32
      %convert_element_type3A_191 = arith.extui %lt3A_190 : i1 to i32
      %cond3A_192 = arith.constant 0 : i32
      %cond3A_193 = arith.cmpi ne, %convert_element_type3A_191, %cond3A_192 : i32
      scf.if %cond3A_193 {
        %add3A_194 = arith.constant 8 : i32
        %add3A_195 = arith.addi %add3A_61, %add3A_194 : i32
        %add3A_196 = arith.constant 7 : i32
        %add3A_197 = arith.addi %add3A_195, %add3A_196 : i32
        %mul3A_198 = arith.constant 128 : i32
        %mul3A_199 = arith.muli %add3A_197, %mul3A_198 : i32
        %dma_start3A_200 = tpu.memref_slice %arg8[%mul3A_199] : memref<10240xi32, #tpu.memory_space<vmem>> -> memref<128xi32, #tpu.memory_space<vmem>>
        %dma_start3A_201 = arith.constant 0 : i32
        %dma_start3A_202 = arith.constant 0 : i32
        %dma_start3A_203 = tpu.memref_slice %arg2[%dma_start3A_201, %dma_start3A_202] : memref<10000x16xf32, #tpu.memory_space<hbm>> -> memref<10000x16xf32, #tpu.memory_space<hbm>>
        tpu.enqueue_indirect_dma source(%dma_start3A_203 : memref<10000x16xf32, #tpu.memory_space<hbm>>) target(%arg16 : memref<128x16xf32, #tpu.memory_space<vmem>>) offsets(%dma_start3A_200 : memref<128xi32, #tpu.memory_space<vmem>>) semaphore(%arg25 : memref<!tpu.dma_semaphore, #tpu.memory_space<semaphore_mem>>)
      } else {
      }
    }
    %scan3A_51 = arith.constant 10 : i32
    %barrier3A_52 = arith.constant 0 : index
    tpu.barrier barrier_id(%barrier3A_52)
    %mul3A_53 = arith.constant 632 : i32
    %mul3A_54 = arith.muli %arg1, %mul3A_53 : i32
    %mul3A_55 = arith.constant 632 : i32
    %mul3A_56 = arith.muli %arg1, %mul3A_55 : i32
    "tpu.region"() ({
      %run_scoped3A = tpu.sem_alloc : memref<!tpu.dma_semaphore, #tpu.memory_space<semaphore_mem>>
      %dma_start3A_57 = arith.constant 0 : i32
      %dma_start3A_58 = tpu.memref_slice %arg6[%arg0, %mul3A_56, %dma_start3A_57] : memref<2x10112x16xf32, #tpu.memory_space<hbm>> -> memref<1x632x16xf32, #tpu.memory_space<hbm>>
      %dma_start3A_59 = tpu.memref_squeeze %dma_start3A_58 : memref<1x632x16xf32, #tpu.memory_space<hbm>> -> memref<632x16xf32, #tpu.memory_space<hbm>>
      %dma_start3A_60 = arith.constant 0 : i32
      %dma_start3A_61 = tpu.memref_slice %arg17[%mul3A_54, %dma_start3A_60] : memref<10112x16xf32, #tpu.memory_space<vmem_shared>> -> memref<632x16xf32, #tpu.memory_space<vmem_shared>>
      tpu.enqueue_dma source(%dma_start3A_61 : memref<632x16xf32, #tpu.memory_space<vmem_shared>>) target(%dma_start3A_59 : memref<632x16xf32, #tpu.memory_space<hbm>>) target_semaphore(%run_scoped3A : memref<!tpu.dma_semaphore, #tpu.memory_space<semaphore_mem>>)
      %dma_wait3A = arith.constant 0 : i32
      %dma_wait3A_62 = tpu.memref_slice %arg6[%arg0, %mul3A_56, %dma_wait3A] : memref<2x10112x16xf32, #tpu.memory_space<hbm>> -> memref<1x632x16xf32, #tpu.memory_space<hbm>>
      %dma_wait3A_63 = tpu.memref_squeeze %dma_wait3A_62 : memref<1x632x16xf32, #tpu.memory_space<hbm>> -> memref<632x16xf32, #tpu.memory_space<hbm>>
      %dma_wait3A_64 = arith.constant 0 : i32
      %dma_wait3A_65 = tpu.memref_slice %arg17[%mul3A_54, %dma_wait3A_64] : memref<10112x16xf32, #tpu.memory_space<vmem_shared>> -> memref<632x16xf32, #tpu.memory_space<vmem_shared>>
      tpu.wait_dma2 semaphore(%run_scoped3A : memref<!tpu.dma_semaphore, #tpu.memory_space<semaphore_mem>>) src(%dma_wait3A_65 : memref<632x16xf32, #tpu.memory_space<vmem_shared>>) dst(%dma_wait3A_63 : memref<632x16xf32, #tpu.memory_space<hbm>>)
      tpu.yield
    }) : () -> ()
    return
  }
}

#map = affine_map<(d0, d1) -> (0, 0)>
#map1 = affine_map<(d0, d1) -> (0)>
module attributes {stable_mosaic.version = 14 : i64} {
  func.func @deg_kernel(%arg0: i32, %arg1: i32, %arg2: memref<2x320000xi32, #tpu.memory_space<hbm>>, %arg3: memref<327680xf32, #tpu.memory_space<hbm>>, %arg4: memref<10000xi32, #tpu.memory_space<vmem>>, %arg5: memref<10240xf32, #tpu.memory_space<vmem>>) attributes {dimension_semantics = [#tpu.dimension_semantics<core_parallel>, #tpu.dimension_semantics<subcore_parallel>], iteration_bounds = array<i64: 2, 16>, scalar_prefetch = 0 : i64, scratch_operands = 2 : i64, tpu.core_type = #tpu.core_type<sc_vector_subcore>, window_params = [{transform_indices = #map}, {transform_indices = #map1}]} {
    %mul3A = arith.constant 16 : i32
    %mul3A_0 = arith.muli %arg0, %mul3A : i32
    %add3A = arith.addi %mul3A_0, %arg1 : i32
    %mul3A_1 = arith.constant 10000 : i32
    %mul3A_2 = arith.muli %add3A, %mul3A_1 : i32
    %run_scoped3A = arith.constant 1 : i32
    "tpu.region"() ({
      %run_scoped3A_17 = tpu.sem_alloc : memref<!tpu.dma_semaphore, #tpu.memory_space<semaphore_mem>>
      %dma_start3A = tpu.memref_slice %arg2[%run_scoped3A, %mul3A_2] : memref<2x320000xi32, #tpu.memory_space<hbm>> -> memref<1x10000xi32, #tpu.memory_space<hbm>>
      %dma_start3A_18 = tpu.memref_squeeze %dma_start3A : memref<1x10000xi32, #tpu.memory_space<hbm>> -> memref<10000xi32, #tpu.memory_space<hbm>>
      %dma_start3A_19 = tpu.memref_slice %arg2[%run_scoped3A, %mul3A_2] : memref<2x320000xi32, #tpu.memory_space<hbm>> -> memref<1x10000xi32, #tpu.memory_space<hbm>>
      %dma_start3A_20 = tpu.memref_squeeze %dma_start3A_19 : memref<1x10000xi32, #tpu.memory_space<hbm>> -> memref<10000xi32, #tpu.memory_space<hbm>>
      tpu.enqueue_dma source(%dma_start3A_20 : memref<10000xi32, #tpu.memory_space<hbm>>) target(%arg4 : memref<10000xi32, #tpu.memory_space<vmem>>) target_semaphore(%run_scoped3A_17 : memref<!tpu.dma_semaphore, #tpu.memory_space<semaphore_mem>>)
      %dma_wait3A = tpu.memref_slice %arg2[%run_scoped3A, %mul3A_2] : memref<2x320000xi32, #tpu.memory_space<hbm>> -> memref<1x10000xi32, #tpu.memory_space<hbm>>
      %dma_wait3A_21 = tpu.memref_squeeze %dma_wait3A : memref<1x10000xi32, #tpu.memory_space<hbm>> -> memref<10000xi32, #tpu.memory_space<hbm>>
      %dma_wait3A_22 = tpu.memref_slice %arg2[%run_scoped3A, %mul3A_2] : memref<2x320000xi32, #tpu.memory_space<hbm>> -> memref<1x10000xi32, #tpu.memory_space<hbm>>
      %dma_wait3A_23 = tpu.memref_squeeze %dma_wait3A_22 : memref<1x10000xi32, #tpu.memory_space<hbm>> -> memref<10000xi32, #tpu.memory_space<hbm>>
      tpu.wait_dma2 semaphore(%run_scoped3A_17 : memref<!tpu.dma_semaphore, #tpu.memory_space<semaphore_mem>>) src(%dma_wait3A_23 : memref<10000xi32, #tpu.memory_space<hbm>>) dst(%arg4 : memref<10000xi32, #tpu.memory_space<vmem>>)
      tpu.yield
    }) : () -> ()
    %broadcast_in_dim3A = arith.constant 0.000000e+00 : f32
    %broadcast_in_dim3A_3 = vector.broadcast %broadcast_in_dim3A : f32 to vector<16xf32>
    %scan3A = arith.constant 0 : i32
    %scan3A_4 = arith.constant 640 : i32
    %scan3A_5 = arith.addi %scan3A, %scan3A_4 : i32
    %scan3A_6 = arith.constant 1 : i32
    scf.for %scan3A_17 = %scan3A to %scan3A_5 step %scan3A_6  : i32 {
      %mul3A_18 = arith.constant 1 : i32
      %mul3A_19 = arith.muli %scan3A_17, %mul3A_18 : i32
      %add3A_20 = arith.constant 0 : i32
      %add3A_21 = arith.addi %add3A_20, %mul3A_19 : i32
      %mul3A_22 = arith.constant 16 : i32
      %mul3A_23 = arith.muli %add3A_21, %mul3A_22 : i32
      %swap3A = arith.index_cast %mul3A_23 : i32 to index
      %swap3A_24 = tpu.vector_load %arg5[%swap3A] {strides = array<i32>} : memref<10240xf32, #tpu.memory_space<vmem>>, vector<16xf32>,
      tpu.vector_store %arg5[%swap3A], %broadcast_in_dim3A_3 {strides = array<i32>} : memref<10240xf32, #tpu.memory_space<vmem>>, vector<16xf32>,
    }
    %scan3A_7 = arith.constant 640 : i32
    %broadcast_in_dim3A_8 = arith.constant 1.000000e+00 : f32
    %broadcast_in_dim3A_9 = vector.broadcast %broadcast_in_dim3A_8 : f32 to vector<16xf32>
    %scan3A_10 = arith.constant 0 : i32
    %scan3A_11 = arith.constant 625 : i32
    %scan3A_12 = arith.addi %scan3A_10, %scan3A_11 : i32
    %scan3A_13 = arith.constant 1 : i32
    scf.for %scan3A_17 = %scan3A_10 to %scan3A_12 step %scan3A_13  : i32 {
      %mul3A_18 = arith.constant 1 : i32
      %mul3A_19 = arith.muli %scan3A_17, %mul3A_18 : i32
      %add3A_20 = arith.constant 0 : i32
      %add3A_21 = arith.addi %add3A_20, %mul3A_19 : i32
      %mul3A_22 = arith.constant 16 : i32
      %mul3A_23 = arith.muli %add3A_21, %mul3A_22 : i32
      %get3A = arith.index_cast %mul3A_23 : i32 to index
      %get3A_24 = tpu.vector_load %arg4[%get3A] {strides = array<i32>} : memref<10000xi32, #tpu.memory_space<vmem>>, vector<16xi32>,
      tpu.vector_store_idx %arg5[%get3A_24], %broadcast_in_dim3A_9 {add = true} : memref<10240xf32, #tpu.memory_space<vmem>>[vector<16xi32>], vector<16xf32>,
    }
    %scan3A_14 = arith.constant 625 : i32
    %mul3A_15 = arith.constant 10240 : i32
    %mul3A_16 = arith.muli %add3A, %mul3A_15 : i32
    "tpu.region"() ({
      %run_scoped3A_17 = tpu.sem_alloc : memref<!tpu.dma_semaphore, #tpu.memory_space<semaphore_mem>>
      %dma_start3A = tpu.memref_slice %arg3[%mul3A_16] : memref<327680xf32, #tpu.memory_space<hbm>> -> memref<10240xf32, #tpu.memory_space<hbm>>
      %dma_start3A_18 = tpu.memref_slice %arg3[%mul3A_16] : memref<327680xf32, #tpu.memory_space<hbm>> -> memref<10240xf32, #tpu.memory_space<hbm>>
      tpu.enqueue_dma source(%arg5 : memref<10240xf32, #tpu.memory_space<vmem>>) target(%dma_start3A_18 : memref<10240xf32, #tpu.memory_space<hbm>>) target_semaphore(%run_scoped3A_17 : memref<!tpu.dma_semaphore, #tpu.memory_space<semaphore_mem>>)
      %dma_wait3A = tpu.memref_slice %arg3[%mul3A_16] : memref<327680xf32, #tpu.memory_space<hbm>> -> memref<10240xf32, #tpu.memory_space<hbm>>
      %dma_wait3A_19 = tpu.memref_slice %arg3[%mul3A_16] : memref<327680xf32, #tpu.memory_space<hbm>> -> memref<10240xf32, #tpu.memory_space<hbm>>
      tpu.wait_dma2 semaphore(%run_scoped3A_17 : memref<!tpu.dma_semaphore, #tpu.memory_space<semaphore_mem>>) src(%arg5 : memref<10240xf32, #tpu.memory_space<vmem>>) dst(%dma_wait3A_19 : memref<10240xf32, #tpu.memory_space<hbm>>)
      tpu.yield
    }) : () -> ()
    return
  }
}

#map = affine_map<(d0, d1) -> (0, 0)>
#map1 = affine_map<(d0, d1) -> (0)>
#map2 = affine_map<(d0, d1) -> (0, 0, 0)>
module attributes {stable_mosaic.version = 14 : i64} {
  func.func @agg_kernel(%arg0: i32, %arg1: i32, %arg2: memref<10000x32xf32, #tpu.memory_space<hbm>>, %arg3: memref<327680xi32, #tpu.memory_space<hbm>>, %arg4: memref<2560x128xi32, #tpu.memory_space<hbm>>, %arg5: memref<10112x32xf32, #tpu.memory_space<hbm>>, %arg6: memref<2x10112x32xf32, #tpu.memory_space<hbm>>, %arg7: memref<80x128xi32, #tpu.memory_space<vmem>>, %arg8: memref<10240xi32, #tpu.memory_space<vmem>>, %arg9: memref<128x32xf32, #tpu.memory_space<vmem>>, %arg10: memref<128x32xf32, #tpu.memory_space<vmem>>, %arg11: memref<128x32xf32, #tpu.memory_space<vmem>>, %arg12: memref<128x32xf32, #tpu.memory_space<vmem>>, %arg13: memref<128x32xf32, #tpu.memory_space<vmem>>, %arg14: memref<128x32xf32, #tpu.memory_space<vmem>>, %arg15: memref<128x32xf32, #tpu.memory_space<vmem>>, %arg16: memref<128x32xf32, #tpu.memory_space<vmem>>, %arg17: memref<10112x32xf32, #tpu.memory_space<vmem_shared>>, %arg18: memref<!tpu.dma_semaphore, #tpu.memory_space<semaphore_mem>>, %arg19: memref<!tpu.dma_semaphore, #tpu.memory_space<semaphore_mem>>, %arg20: memref<!tpu.dma_semaphore, #tpu.memory_space<semaphore_mem>>, %arg21: memref<!tpu.dma_semaphore, #tpu.memory_space<semaphore_mem>>, %arg22: memref<!tpu.dma_semaphore, #tpu.memory_space<semaphore_mem>>, %arg23: memref<!tpu.dma_semaphore, #tpu.memory_space<semaphore_mem>>, %arg24: memref<!tpu.dma_semaphore, #tpu.memory_space<semaphore_mem>>, %arg25: memref<!tpu.dma_semaphore, #tpu.memory_space<semaphore_mem>>) attributes {dimension_semantics = [#tpu.dimension_semantics<core_parallel>, #tpu.dimension_semantics<subcore_parallel>], iteration_bounds = array<i64: 2, 16>, scalar_prefetch = 0 : i64, scratch_operands = 19 : i64, tpu.core_type = #tpu.core_type<sc_vector_subcore>, window_params = [{transform_indices = #map}, {transform_indices = #map1}, {transform_indices = #map}, {transform_indices = #map}, {transform_indices = #map2}]} {
    %mul3A = arith.constant 16 : i32
    %mul3A_0 = arith.muli %arg0, %mul3A : i32
    %add3A = arith.addi %mul3A_0, %arg1 : i32
    %mul3A_1 = arith.constant 632 : i32
    %mul3A_2 = arith.muli %arg1, %mul3A_1 : i32
    %mul3A_3 = arith.constant 632 : i32
    %mul3A_4 = arith.muli %arg1, %mul3A_3 : i32
    "tpu.region"() ({
      %run_scoped3A = tpu.sem_alloc : memref<!tpu.dma_semaphore, #tpu.memory_space<semaphore_mem>>
      %dma_start3A_57 = arith.constant 0 : i32
      %dma_start3A_58 = tpu.memref_slice %arg17[%mul3A_4, %dma_start3A_57] : memref<10112x32xf32, #tpu.memory_space<vmem_shared>> -> memref<632x32xf32, #tpu.memory_space<vmem_shared>>
      %dma_start3A_59 = arith.constant 0 : i32
      %dma_start3A_60 = tpu.memref_slice %arg5[%mul3A_2, %dma_start3A_59] : memref<10112x32xf32, #tpu.memory_space<hbm>> -> memref<632x32xf32, #tpu.memory_space<hbm>>
      tpu.enqueue_dma source(%dma_start3A_60 : memref<632x32xf32, #tpu.memory_space<hbm>>) target(%dma_start3A_58 : memref<632x32xf32, #tpu.memory_space<vmem_shared>>) target_semaphore(%run_scoped3A : memref<!tpu.dma_semaphore, #tpu.memory_space<semaphore_mem>>)
      %dma_wait3A = arith.constant 0 : i32
      %dma_wait3A_61 = tpu.memref_slice %arg17[%mul3A_4, %dma_wait3A] : memref<10112x32xf32, #tpu.memory_space<vmem_shared>> -> memref<632x32xf32, #tpu.memory_space<vmem_shared>>
      %dma_wait3A_62 = arith.constant 0 : i32
      %dma_wait3A_63 = tpu.memref_slice %arg5[%mul3A_2, %dma_wait3A_62] : memref<10112x32xf32, #tpu.memory_space<hbm>> -> memref<632x32xf32, #tpu.memory_space<hbm>>
      tpu.wait_dma2 semaphore(%run_scoped3A : memref<!tpu.dma_semaphore, #tpu.memory_space<semaphore_mem>>) src(%dma_wait3A_63 : memref<632x32xf32, #tpu.memory_space<hbm>>) dst(%dma_wait3A_61 : memref<632x32xf32, #tpu.memory_space<vmem_shared>>)
      tpu.yield
    }) : () -> ()
    %mul3A_5 = arith.constant 10240 : i32
    %mul3A_6 = arith.muli %add3A, %mul3A_5 : i32
    "tpu.region"() ({
      %run_scoped3A = tpu.sem_alloc : memref<!tpu.dma_semaphore, #tpu.memory_space<semaphore_mem>>
      %dma_start3A_57 = tpu.memref_slice %arg3[%mul3A_6] : memref<327680xi32, #tpu.memory_space<hbm>> -> memref<10240xi32, #tpu.memory_space<hbm>>
      %dma_start3A_58 = tpu.memref_slice %arg3[%mul3A_6] : memref<327680xi32, #tpu.memory_space<hbm>> -> memref<10240xi32, #tpu.memory_space<hbm>>
      tpu.enqueue_dma source(%dma_start3A_58 : memref<10240xi32, #tpu.memory_space<hbm>>) target(%arg8 : memref<10240xi32, #tpu.memory_space<vmem>>) target_semaphore(%run_scoped3A : memref<!tpu.dma_semaphore, #tpu.memory_space<semaphore_mem>>)
      %dma_wait3A = tpu.memref_slice %arg3[%mul3A_6] : memref<327680xi32, #tpu.memory_space<hbm>> -> memref<10240xi32, #tpu.memory_space<hbm>>
      %dma_wait3A_59 = tpu.memref_slice %arg3[%mul3A_6] : memref<327680xi32, #tpu.memory_space<hbm>> -> memref<10240xi32, #tpu.memory_space<hbm>>
      tpu.wait_dma2 semaphore(%run_scoped3A : memref<!tpu.dma_semaphore, #tpu.memory_space<semaphore_mem>>) src(%dma_wait3A_59 : memref<10240xi32, #tpu.memory_space<hbm>>) dst(%arg8 : memref<10240xi32, #tpu.memory_space<vmem>>)
      tpu.yield
    }) : () -> ()
    %mul3A_7 = arith.constant 80 : i32
    %mul3A_8 = arith.muli %add3A, %mul3A_7 : i32
    "tpu.region"() ({
      %run_scoped3A = tpu.sem_alloc : memref<!tpu.dma_semaphore, #tpu.memory_space<semaphore_mem>>
      %dma_start3A_57 = arith.constant 0 : i32
      %dma_start3A_58 = tpu.memref_slice %arg4[%mul3A_8, %dma_start3A_57] : memref<2560x128xi32, #tpu.memory_space<hbm>> -> memref<80x128xi32, #tpu.memory_space<hbm>>
      %dma_start3A_59 = arith.constant 0 : i32
      %dma_start3A_60 = tpu.memref_slice %arg4[%mul3A_8, %dma_start3A_59] : memref<2560x128xi32, #tpu.memory_space<hbm>> -> memref<80x128xi32, #tpu.memory_space<hbm>>
      tpu.enqueue_dma source(%dma_start3A_60 : memref<80x128xi32, #tpu.memory_space<hbm>>) target(%arg7 : memref<80x128xi32, #tpu.memory_space<vmem>>) target_semaphore(%run_scoped3A : memref<!tpu.dma_semaphore, #tpu.memory_space<semaphore_mem>>)
      %dma_wait3A = arith.constant 0 : i32
      %dma_wait3A_61 = tpu.memref_slice %arg4[%mul3A_8, %dma_wait3A] : memref<2560x128xi32, #tpu.memory_space<hbm>> -> memref<80x128xi32, #tpu.memory_space<hbm>>
      %dma_wait3A_62 = arith.constant 0 : i32
      %dma_wait3A_63 = tpu.memref_slice %arg4[%mul3A_8, %dma_wait3A_62] : memref<2560x128xi32, #tpu.memory_space<hbm>> -> memref<80x128xi32, #tpu.memory_space<hbm>>
      tpu.wait_dma2 semaphore(%run_scoped3A : memref<!tpu.dma_semaphore, #tpu.memory_space<semaphore_mem>>) src(%dma_wait3A_63 : memref<80x128xi32, #tpu.memory_space<hbm>>) dst(%arg7 : memref<80x128xi32, #tpu.memory_space<vmem>>)
      tpu.yield
    }) : () -> ()
    %barrier3A = arith.constant 0 : index
    tpu.barrier barrier_id(%barrier3A)
    %dma_start3A = arith.constant 0 : i32
    %dma_start3A_9 = tpu.memref_slice %arg8[%dma_start3A] : memref<10240xi32, #tpu.memory_space<vmem>> -> memref<128xi32, #tpu.memory_space<vmem>>
    %dma_start3A_10 = arith.constant 0 : i32
    %dma_start3A_11 = arith.constant 0 : i32
    %dma_start3A_12 = tpu.memref_slice %arg2[%dma_start3A_10, %dma_start3A_11] : memref<10000x32xf32, #tpu.memory_space<hbm>> -> memref<10000x32xf32, #tpu.memory_space<hbm>>
    tpu.enqueue_indirect_dma source(%dma_start3A_12 : memref<10000x32xf32, #tpu.memory_space<hbm>>) target(%arg9 : memref<128x32xf32, #tpu.memory_space<vmem>>) offsets(%dma_start3A_9 : memref<128xi32, #tpu.memory_space<vmem>>) semaphore(%arg18 : memref<!tpu.dma_semaphore, #tpu.memory_space<semaphore_mem>>)
    %dma_start3A_13 = arith.constant 128 : i32
    %dma_start3A_14 = tpu.memref_slice %arg8[%dma_start3A_13] : memref<10240xi32, #tpu.memory_space<vmem>> -> memref<128xi32, #tpu.memory_space<vmem>>
    %dma_start3A_15 = arith.constant 0 : i32
    %dma_start3A_16 = arith.constant 0 : i32
    %dma_start3A_17 = tpu.memref_slice %arg2[%dma_start3A_15, %dma_start3A_16] : memref<10000x32xf32, #tpu.memory_space<hbm>> -> memref<10000x32xf32, #tpu.memory_space<hbm>>
    tpu.enqueue_indirect_dma source(%dma_start3A_17 : memref<10000x32xf32, #tpu.memory_space<hbm>>) target(%arg10 : memref<128x32xf32, #tpu.memory_space<vmem>>) offsets(%dma_start3A_14 : memref<128xi32, #tpu.memory_space<vmem>>) semaphore(%arg19 : memref<!tpu.dma_semaphore, #tpu.memory_space<semaphore_mem>>)
    %dma_start3A_18 = arith.constant 256 : i32
    %dma_start3A_19 = tpu.memref_slice %arg8[%dma_start3A_18] : memref<10240xi32, #tpu.memory_space<vmem>> -> memref<128xi32, #tpu.memory_space<vmem>>
    %dma_start3A_20 = arith.constant 0 : i32
    %dma_start3A_21 = arith.constant 0 : i32
    %dma_start3A_22 = tpu.memref_slice %arg2[%dma_start3A_20, %dma_start3A_21] : memref<10000x32xf32, #tpu.memory_space<hbm>> -> memref<10000x32xf32, #tpu.memory_space<hbm>>
    tpu.enqueue_indirect_dma source(%dma_start3A_22 : memref<10000x32xf32, #tpu.memory_space<hbm>>) target(%arg11 : memref<128x32xf32, #tpu.memory_space<vmem>>) offsets(%dma_start3A_19 : memref<128xi32, #tpu.memory_space<vmem>>) semaphore(%arg20 : memref<!tpu.dma_semaphore, #tpu.memory_space<semaphore_mem>>)
    %dma_start3A_23 = arith.constant 384 : i32
    %dma_start3A_24 = tpu.memref_slice %arg8[%dma_start3A_23] : memref<10240xi32, #tpu.memory_space<vmem>> -> memref<128xi32, #tpu.memory_space<vmem>>
    %dma_start3A_25 = arith.constant 0 : i32
    %dma_start3A_26 = arith.constant 0 : i32
    %dma_start3A_27 = tpu.memref_slice %arg2[%dma_start3A_25, %dma_start3A_26] : memref<10000x32xf32, #tpu.memory_space<hbm>> -> memref<10000x32xf32, #tpu.memory_space<hbm>>
    tpu.enqueue_indirect_dma source(%dma_start3A_27 : memref<10000x32xf32, #tpu.memory_space<hbm>>) target(%arg12 : memref<128x32xf32, #tpu.memory_space<vmem>>) offsets(%dma_start3A_24 : memref<128xi32, #tpu.memory_space<vmem>>) semaphore(%arg21 : memref<!tpu.dma_semaphore, #tpu.memory_space<semaphore_mem>>)
    %dma_start3A_28 = arith.constant 512 : i32
    %dma_start3A_29 = tpu.memref_slice %arg8[%dma_start3A_28] : memref<10240xi32, #tpu.memory_space<vmem>> -> memref<128xi32, #tpu.memory_space<vmem>>
    %dma_start3A_30 = arith.constant 0 : i32
    %dma_start3A_31 = arith.constant 0 : i32
    %dma_start3A_32 = tpu.memref_slice %arg2[%dma_start3A_30, %dma_start3A_31] : memref<10000x32xf32, #tpu.memory_space<hbm>> -> memref<10000x32xf32, #tpu.memory_space<hbm>>
    tpu.enqueue_indirect_dma source(%dma_start3A_32 : memref<10000x32xf32, #tpu.memory_space<hbm>>) target(%arg13 : memref<128x32xf32, #tpu.memory_space<vmem>>) offsets(%dma_start3A_29 : memref<128xi32, #tpu.memory_space<vmem>>) semaphore(%arg22 : memref<!tpu.dma_semaphore, #tpu.memory_space<semaphore_mem>>)
    %dma_start3A_33 = arith.constant 640 : i32
    %dma_start3A_34 = tpu.memref_slice %arg8[%dma_start3A_33] : memref<10240xi32, #tpu.memory_space<vmem>> -> memref<128xi32, #tpu.memory_space<vmem>>
    %dma_start3A_35 = arith.constant 0 : i32
    %dma_start3A_36 = arith.constant 0 : i32
    %dma_start3A_37 = tpu.memref_slice %arg2[%dma_start3A_35, %dma_start3A_36] : memref<10000x32xf32, #tpu.memory_space<hbm>> -> memref<10000x32xf32, #tpu.memory_space<hbm>>
    tpu.enqueue_indirect_dma source(%dma_start3A_37 : memref<10000x32xf32, #tpu.memory_space<hbm>>) target(%arg14 : memref<128x32xf32, #tpu.memory_space<vmem>>) offsets(%dma_start3A_34 : memref<128xi32, #tpu.memory_space<vmem>>) semaphore(%arg23 : memref<!tpu.dma_semaphore, #tpu.memory_space<semaphore_mem>>)
    %dma_start3A_38 = arith.constant 768 : i32
    %dma_start3A_39 = tpu.memref_slice %arg8[%dma_start3A_38] : memref<10240xi32, #tpu.memory_space<vmem>> -> memref<128xi32, #tpu.memory_space<vmem>>
    %dma_start3A_40 = arith.constant 0 : i32
    %dma_start3A_41 = arith.constant 0 : i32
    %dma_start3A_42 = tpu.memref_slice %arg2[%dma_start3A_40, %dma_start3A_41] : memref<10000x32xf32, #tpu.memory_space<hbm>> -> memref<10000x32xf32, #tpu.memory_space<hbm>>
    tpu.enqueue_indirect_dma source(%dma_start3A_42 : memref<10000x32xf32, #tpu.memory_space<hbm>>) target(%arg15 : memref<128x32xf32, #tpu.memory_space<vmem>>) offsets(%dma_start3A_39 : memref<128xi32, #tpu.memory_space<vmem>>) semaphore(%arg24 : memref<!tpu.dma_semaphore, #tpu.memory_space<semaphore_mem>>)
    %dma_start3A_43 = arith.constant 896 : i32
    %dma_start3A_44 = tpu.memref_slice %arg8[%dma_start3A_43] : memref<10240xi32, #tpu.memory_space<vmem>> -> memref<128xi32, #tpu.memory_space<vmem>>
    %dma_start3A_45 = arith.constant 0 : i32
    %dma_start3A_46 = arith.constant 0 : i32
    %dma_start3A_47 = tpu.memref_slice %arg2[%dma_start3A_45, %dma_start3A_46] : memref<10000x32xf32, #tpu.memory_space<hbm>> -> memref<10000x32xf32, #tpu.memory_space<hbm>>
    tpu.enqueue_indirect_dma source(%dma_start3A_47 : memref<10000x32xf32, #tpu.memory_space<hbm>>) target(%arg16 : memref<128x32xf32, #tpu.memory_space<vmem>>) offsets(%dma_start3A_44 : memref<128xi32, #tpu.memory_space<vmem>>) semaphore(%arg25 : memref<!tpu.dma_semaphore, #tpu.memory_space<semaphore_mem>>)
    %scan3A = arith.constant 0 : i32
    %scan3A_48 = arith.constant 10 : i32
    %scan3A_49 = arith.addi %scan3A, %scan3A_48 : i32
    %scan3A_50 = arith.constant 1 : i32
    scf.for %scan3A_57 = %scan3A to %scan3A_49 step %scan3A_50  : i32 {
      %mul3A_58 = arith.constant 8 : i32
      %mul3A_59 = arith.muli %scan3A_57, %mul3A_58 : i32
      %add3A_60 = arith.constant 0 : i32
      %add3A_61 = arith.addi %add3A_60, %mul3A_59 : i32
      %dma_wait3A = arith.constant 0 : i32
      %dma_wait3A_62 = arith.constant 0 : i32
      %dma_wait3A_63 = tpu.memref_slice %arg2[%dma_wait3A, %dma_wait3A_62] : memref<10000x32xf32, #tpu.memory_space<hbm>> -> memref<128x32xf32, #tpu.memory_space<hbm>>
      %dma_wait3A_64 = arith.constant 0 : i32
      %dma_wait3A_65 = arith.constant 0 : i32
      %dma_wait3A_66 = tpu.memref_slice %arg2[%dma_wait3A_64, %dma_wait3A_65] : memref<10000x32xf32, #tpu.memory_space<hbm>> -> memref<128x32xf32, #tpu.memory_space<hbm>>
      tpu.wait_dma2 semaphore(%arg18 : memref<!tpu.dma_semaphore, #tpu.memory_space<semaphore_mem>>) src(%dma_wait3A_66 : memref<128x32xf32, #tpu.memory_space<hbm>>) dst(%arg9 : memref<128x32xf32, #tpu.memory_space<vmem>>)
      %add3A_67 = arith.constant 0 : i32
      %add3A_68 = arith.addi %add3A_61, %add3A_67 : i32
      "tpu.region"() ({
        %run_scoped3A = tpu.sem_alloc : memref<!tpu.dma_semaphore, #tpu.memory_space<semaphore_mem>>
        %dma_start3A_194 = arith.constant 0 : i32
        %dma_start3A_195 = tpu.memref_slice %arg7[%add3A_68, %dma_start3A_194] : memref<80x128xi32, #tpu.memory_space<vmem>> -> memref<1x128xi32, #tpu.memory_space<vmem>>
        %dma_start3A_196 = tpu.memref_squeeze %dma_start3A_195 : memref<1x128xi32, #tpu.memory_space<vmem>> -> memref<128xi32, #tpu.memory_space<vmem>>
        %dma_start3A_197 = arith.constant 0 : i32
        %dma_start3A_198 = arith.constant 0 : i32
        %dma_start3A_199 = tpu.memref_slice %arg17[%dma_start3A_197, %dma_start3A_198] : memref<10112x32xf32, #tpu.memory_space<vmem_shared>> -> memref<10112x32xf32, #tpu.memory_space<vmem_shared>>
        tpu.enqueue_indirect_dma source(%arg9 : memref<128x32xf32, #tpu.memory_space<vmem>>) target(%dma_start3A_199 : memref<10112x32xf32, #tpu.memory_space<vmem_shared>>) offsets(%dma_start3A_196 : memref<128xi32, #tpu.memory_space<vmem>>) semaphore(%run_scoped3A : memref<!tpu.dma_semaphore, #tpu.memory_space<semaphore_mem>>) {add = true}
        %dma_wait3A_200 = arith.constant 0 : i32
        %dma_wait3A_201 = tpu.memref_slice %arg7[%add3A_68, %dma_wait3A_200] : memref<80x128xi32, #tpu.memory_space<vmem>> -> memref<1x128xi32, #tpu.memory_space<vmem>>
        %dma_wait3A_202 = tpu.memref_squeeze %dma_wait3A_201 : memref<1x128xi32, #tpu.memory_space<vmem>> -> memref<128xi32, #tpu.memory_space<vmem>>
        %dma_wait3A_203 = arith.constant 0 : i32
        %dma_wait3A_204 = arith.constant 0 : i32
        %dma_wait3A_205 = tpu.memref_slice %arg17[%dma_wait3A_203, %dma_wait3A_204] : memref<10112x32xf32, #tpu.memory_space<vmem_shared>> -> memref<10112x32xf32, #tpu.memory_space<vmem_shared>>
        tpu.wait_indirect_dma semaphore(%run_scoped3A : memref<!tpu.dma_semaphore, #tpu.memory_space<semaphore_mem>>) src(%arg9 : memref<128x32xf32, #tpu.memory_space<vmem>>) dst(%dma_wait3A_205 : memref<10112x32xf32, #tpu.memory_space<vmem_shared>>)
        tpu.yield
      }) : () -> ()
      %add3A_69 = arith.constant 8 : i32
      %add3A_70 = arith.addi %add3A_61, %add3A_69 : i32
      %add3A_71 = arith.constant 0 : i32
      %add3A_72 = arith.addi %add3A_70, %add3A_71 : i32
      %lt3A = arith.constant 80 : i32
      %lt3A_73 = arith.cmpi slt, %add3A_72, %lt3A : i32
      %convert_element_type3A = arith.extui %lt3A_73 : i1 to i32
      %cond3A = arith.constant 0 : i32
      %cond3A_74 = arith.cmpi ne, %convert_element_type3A, %cond3A : i32
      scf.if %cond3A_74 {
        %add3A_194 = arith.constant 8 : i32
        %add3A_195 = arith.addi %add3A_61, %add3A_194 : i32
        %add3A_196 = arith.constant 0 : i32
        %add3A_197 = arith.addi %add3A_195, %add3A_196 : i32
        %mul3A_198 = arith.constant 128 : i32
        %mul3A_199 = arith.muli %add3A_197, %mul3A_198 : i32
        %dma_start3A_200 = tpu.memref_slice %arg8[%mul3A_199] : memref<10240xi32, #tpu.memory_space<vmem>> -> memref<128xi32, #tpu.memory_space<vmem>>
        %dma_start3A_201 = arith.constant 0 : i32
        %dma_start3A_202 = arith.constant 0 : i32
        %dma_start3A_203 = tpu.memref_slice %arg2[%dma_start3A_201, %dma_start3A_202] : memref<10000x32xf32, #tpu.memory_space<hbm>> -> memref<10000x32xf32, #tpu.memory_space<hbm>>
        tpu.enqueue_indirect_dma source(%dma_start3A_203 : memref<10000x32xf32, #tpu.memory_space<hbm>>) target(%arg9 : memref<128x32xf32, #tpu.memory_space<vmem>>) offsets(%dma_start3A_200 : memref<128xi32, #tpu.memory_space<vmem>>) semaphore(%arg18 : memref<!tpu.dma_semaphore, #tpu.memory_space<semaphore_mem>>)
      } else {
      }
      %dma_wait3A_75 = arith.constant 0 : i32
      %dma_wait3A_76 = arith.constant 0 : i32
      %dma_wait3A_77 = tpu.memref_slice %arg2[%dma_wait3A_75, %dma_wait3A_76] : memref<10000x32xf32, #tpu.memory_space<hbm>> -> memref<128x32xf32, #tpu.memory_space<hbm>>
      %dma_wait3A_78 = arith.constant 0 : i32
      %dma_wait3A_79 = arith.constant 0 : i32
      %dma_wait3A_80 = tpu.memref_slice %arg2[%dma_wait3A_78, %dma_wait3A_79] : memref<10000x32xf32, #tpu.memory_space<hbm>> -> memref<128x32xf32, #tpu.memory_space<hbm>>
      tpu.wait_dma2 semaphore(%arg19 : memref<!tpu.dma_semaphore, #tpu.memory_space<semaphore_mem>>) src(%dma_wait3A_80 : memref<128x32xf32, #tpu.memory_space<hbm>>) dst(%arg10 : memref<128x32xf32, #tpu.memory_space<vmem>>)
      %add3A_81 = arith.constant 1 : i32
      %add3A_82 = arith.addi %add3A_61, %add3A_81 : i32
      "tpu.region"() ({
        %run_scoped3A = tpu.sem_alloc : memref<!tpu.dma_semaphore, #tpu.memory_space<semaphore_mem>>
        %dma_start3A_194 = arith.constant 0 : i32
        %dma_start3A_195 = tpu.memref_slice %arg7[%add3A_82, %dma_start3A_194] : memref<80x128xi32, #tpu.memory_space<vmem>> -> memref<1x128xi32, #tpu.memory_space<vmem>>
        %dma_start3A_196 = tpu.memref_squeeze %dma_start3A_195 : memref<1x128xi32, #tpu.memory_space<vmem>> -> memref<128xi32, #tpu.memory_space<vmem>>
        %dma_start3A_197 = arith.constant 0 : i32
        %dma_start3A_198 = arith.constant 0 : i32
        %dma_start3A_199 = tpu.memref_slice %arg17[%dma_start3A_197, %dma_start3A_198] : memref<10112x32xf32, #tpu.memory_space<vmem_shared>> -> memref<10112x32xf32, #tpu.memory_space<vmem_shared>>
        tpu.enqueue_indirect_dma source(%arg10 : memref<128x32xf32, #tpu.memory_space<vmem>>) target(%dma_start3A_199 : memref<10112x32xf32, #tpu.memory_space<vmem_shared>>) offsets(%dma_start3A_196 : memref<128xi32, #tpu.memory_space<vmem>>) semaphore(%run_scoped3A : memref<!tpu.dma_semaphore, #tpu.memory_space<semaphore_mem>>) {add = true}
        %dma_wait3A_200 = arith.constant 0 : i32
        %dma_wait3A_201 = tpu.memref_slice %arg7[%add3A_82, %dma_wait3A_200] : memref<80x128xi32, #tpu.memory_space<vmem>> -> memref<1x128xi32, #tpu.memory_space<vmem>>
        %dma_wait3A_202 = tpu.memref_squeeze %dma_wait3A_201 : memref<1x128xi32, #tpu.memory_space<vmem>> -> memref<128xi32, #tpu.memory_space<vmem>>
        %dma_wait3A_203 = arith.constant 0 : i32
        %dma_wait3A_204 = arith.constant 0 : i32
        %dma_wait3A_205 = tpu.memref_slice %arg17[%dma_wait3A_203, %dma_wait3A_204] : memref<10112x32xf32, #tpu.memory_space<vmem_shared>> -> memref<10112x32xf32, #tpu.memory_space<vmem_shared>>
        tpu.wait_indirect_dma semaphore(%run_scoped3A : memref<!tpu.dma_semaphore, #tpu.memory_space<semaphore_mem>>) src(%arg10 : memref<128x32xf32, #tpu.memory_space<vmem>>) dst(%dma_wait3A_205 : memref<10112x32xf32, #tpu.memory_space<vmem_shared>>)
        tpu.yield
      }) : () -> ()
      %add3A_83 = arith.constant 8 : i32
      %add3A_84 = arith.addi %add3A_61, %add3A_83 : i32
      %add3A_85 = arith.constant 1 : i32
      %add3A_86 = arith.addi %add3A_84, %add3A_85 : i32
      %lt3A_87 = arith.constant 80 : i32
      %lt3A_88 = arith.cmpi slt, %add3A_86, %lt3A_87 : i32
      %convert_element_type3A_89 = arith.extui %lt3A_88 : i1 to i32
      %cond3A_90 = arith.constant 0 : i32
      %cond3A_91 = arith.cmpi ne, %convert_element_type3A_89, %cond3A_90 : i32
      scf.if %cond3A_91 {
        %add3A_194 = arith.constant 8 : i32
        %add3A_195 = arith.addi %add3A_61, %add3A_194 : i32
        %add3A_196 = arith.constant 1 : i32
        %add3A_197 = arith.addi %add3A_195, %add3A_196 : i32
        %mul3A_198 = arith.constant 128 : i32
        %mul3A_199 = arith.muli %add3A_197, %mul3A_198 : i32
        %dma_start3A_200 = tpu.memref_slice %arg8[%mul3A_199] : memref<10240xi32, #tpu.memory_space<vmem>> -> memref<128xi32, #tpu.memory_space<vmem>>
        %dma_start3A_201 = arith.constant 0 : i32
        %dma_start3A_202 = arith.constant 0 : i32
        %dma_start3A_203 = tpu.memref_slice %arg2[%dma_start3A_201, %dma_start3A_202] : memref<10000x32xf32, #tpu.memory_space<hbm>> -> memref<10000x32xf32, #tpu.memory_space<hbm>>
        tpu.enqueue_indirect_dma source(%dma_start3A_203 : memref<10000x32xf32, #tpu.memory_space<hbm>>) target(%arg10 : memref<128x32xf32, #tpu.memory_space<vmem>>) offsets(%dma_start3A_200 : memref<128xi32, #tpu.memory_space<vmem>>) semaphore(%arg19 : memref<!tpu.dma_semaphore, #tpu.memory_space<semaphore_mem>>)
      } else {
      }
      %dma_wait3A_92 = arith.constant 0 : i32
      %dma_wait3A_93 = arith.constant 0 : i32
      %dma_wait3A_94 = tpu.memref_slice %arg2[%dma_wait3A_92, %dma_wait3A_93] : memref<10000x32xf32, #tpu.memory_space<hbm>> -> memref<128x32xf32, #tpu.memory_space<hbm>>
      %dma_wait3A_95 = arith.constant 0 : i32
      %dma_wait3A_96 = arith.constant 0 : i32
      %dma_wait3A_97 = tpu.memref_slice %arg2[%dma_wait3A_95, %dma_wait3A_96] : memref<10000x32xf32, #tpu.memory_space<hbm>> -> memref<128x32xf32, #tpu.memory_space<hbm>>
      tpu.wait_dma2 semaphore(%arg20 : memref<!tpu.dma_semaphore, #tpu.memory_space<semaphore_mem>>) src(%dma_wait3A_97 : memref<128x32xf32, #tpu.memory_space<hbm>>) dst(%arg11 : memref<128x32xf32, #tpu.memory_space<vmem>>)
      %add3A_98 = arith.constant 2 : i32
      %add3A_99 = arith.addi %add3A_61, %add3A_98 : i32
      "tpu.region"() ({
        %run_scoped3A = tpu.sem_alloc : memref<!tpu.dma_semaphore, #tpu.memory_space<semaphore_mem>>
        %dma_start3A_194 = arith.constant 0 : i32
        %dma_start3A_195 = tpu.memref_slice %arg7[%add3A_99, %dma_start3A_194] : memref<80x128xi32, #tpu.memory_space<vmem>> -> memref<1x128xi32, #tpu.memory_space<vmem>>
        %dma_start3A_196 = tpu.memref_squeeze %dma_start3A_195 : memref<1x128xi32, #tpu.memory_space<vmem>> -> memref<128xi32, #tpu.memory_space<vmem>>
        %dma_start3A_197 = arith.constant 0 : i32
        %dma_start3A_198 = arith.constant 0 : i32
        %dma_start3A_199 = tpu.memref_slice %arg17[%dma_start3A_197, %dma_start3A_198] : memref<10112x32xf32, #tpu.memory_space<vmem_shared>> -> memref<10112x32xf32, #tpu.memory_space<vmem_shared>>
        tpu.enqueue_indirect_dma source(%arg11 : memref<128x32xf32, #tpu.memory_space<vmem>>) target(%dma_start3A_199 : memref<10112x32xf32, #tpu.memory_space<vmem_shared>>) offsets(%dma_start3A_196 : memref<128xi32, #tpu.memory_space<vmem>>) semaphore(%run_scoped3A : memref<!tpu.dma_semaphore, #tpu.memory_space<semaphore_mem>>) {add = true}
        %dma_wait3A_200 = arith.constant 0 : i32
        %dma_wait3A_201 = tpu.memref_slice %arg7[%add3A_99, %dma_wait3A_200] : memref<80x128xi32, #tpu.memory_space<vmem>> -> memref<1x128xi32, #tpu.memory_space<vmem>>
        %dma_wait3A_202 = tpu.memref_squeeze %dma_wait3A_201 : memref<1x128xi32, #tpu.memory_space<vmem>> -> memref<128xi32, #tpu.memory_space<vmem>>
        %dma_wait3A_203 = arith.constant 0 : i32
        %dma_wait3A_204 = arith.constant 0 : i32
        %dma_wait3A_205 = tpu.memref_slice %arg17[%dma_wait3A_203, %dma_wait3A_204] : memref<10112x32xf32, #tpu.memory_space<vmem_shared>> -> memref<10112x32xf32, #tpu.memory_space<vmem_shared>>
        tpu.wait_indirect_dma semaphore(%run_scoped3A : memref<!tpu.dma_semaphore, #tpu.memory_space<semaphore_mem>>) src(%arg11 : memref<128x32xf32, #tpu.memory_space<vmem>>) dst(%dma_wait3A_205 : memref<10112x32xf32, #tpu.memory_space<vmem_shared>>)
        tpu.yield
      }) : () -> ()
      %add3A_100 = arith.constant 8 : i32
      %add3A_101 = arith.addi %add3A_61, %add3A_100 : i32
      %add3A_102 = arith.constant 2 : i32
      %add3A_103 = arith.addi %add3A_101, %add3A_102 : i32
      %lt3A_104 = arith.constant 80 : i32
      %lt3A_105 = arith.cmpi slt, %add3A_103, %lt3A_104 : i32
      %convert_element_type3A_106 = arith.extui %lt3A_105 : i1 to i32
      %cond3A_107 = arith.constant 0 : i32
      %cond3A_108 = arith.cmpi ne, %convert_element_type3A_106, %cond3A_107 : i32
      scf.if %cond3A_108 {
        %add3A_194 = arith.constant 8 : i32
        %add3A_195 = arith.addi %add3A_61, %add3A_194 : i32
        %add3A_196 = arith.constant 2 : i32
        %add3A_197 = arith.addi %add3A_195, %add3A_196 : i32
        %mul3A_198 = arith.constant 128 : i32
        %mul3A_199 = arith.muli %add3A_197, %mul3A_198 : i32
        %dma_start3A_200 = tpu.memref_slice %arg8[%mul3A_199] : memref<10240xi32, #tpu.memory_space<vmem>> -> memref<128xi32, #tpu.memory_space<vmem>>
        %dma_start3A_201 = arith.constant 0 : i32
        %dma_start3A_202 = arith.constant 0 : i32
        %dma_start3A_203 = tpu.memref_slice %arg2[%dma_start3A_201, %dma_start3A_202] : memref<10000x32xf32, #tpu.memory_space<hbm>> -> memref<10000x32xf32, #tpu.memory_space<hbm>>
        tpu.enqueue_indirect_dma source(%dma_start3A_203 : memref<10000x32xf32, #tpu.memory_space<hbm>>) target(%arg11 : memref<128x32xf32, #tpu.memory_space<vmem>>) offsets(%dma_start3A_200 : memref<128xi32, #tpu.memory_space<vmem>>) semaphore(%arg20 : memref<!tpu.dma_semaphore, #tpu.memory_space<semaphore_mem>>)
      } else {
      }
      %dma_wait3A_109 = arith.constant 0 : i32
      %dma_wait3A_110 = arith.constant 0 : i32
      %dma_wait3A_111 = tpu.memref_slice %arg2[%dma_wait3A_109, %dma_wait3A_110] : memref<10000x32xf32, #tpu.memory_space<hbm>> -> memref<128x32xf32, #tpu.memory_space<hbm>>
      %dma_wait3A_112 = arith.constant 0 : i32
      %dma_wait3A_113 = arith.constant 0 : i32
      %dma_wait3A_114 = tpu.memref_slice %arg2[%dma_wait3A_112, %dma_wait3A_113] : memref<10000x32xf32, #tpu.memory_space<hbm>> -> memref<128x32xf32, #tpu.memory_space<hbm>>
      tpu.wait_dma2 semaphore(%arg21 : memref<!tpu.dma_semaphore, #tpu.memory_space<semaphore_mem>>) src(%dma_wait3A_114 : memref<128x32xf32, #tpu.memory_space<hbm>>) dst(%arg12 : memref<128x32xf32, #tpu.memory_space<vmem>>)
      %add3A_115 = arith.constant 3 : i32
      %add3A_116 = arith.addi %add3A_61, %add3A_115 : i32
      "tpu.region"() ({
        %run_scoped3A = tpu.sem_alloc : memref<!tpu.dma_semaphore, #tpu.memory_space<semaphore_mem>>
        %dma_start3A_194 = arith.constant 0 : i32
        %dma_start3A_195 = tpu.memref_slice %arg7[%add3A_116, %dma_start3A_194] : memref<80x128xi32, #tpu.memory_space<vmem>> -> memref<1x128xi32, #tpu.memory_space<vmem>>
        %dma_start3A_196 = tpu.memref_squeeze %dma_start3A_195 : memref<1x128xi32, #tpu.memory_space<vmem>> -> memref<128xi32, #tpu.memory_space<vmem>>
        %dma_start3A_197 = arith.constant 0 : i32
        %dma_start3A_198 = arith.constant 0 : i32
        %dma_start3A_199 = tpu.memref_slice %arg17[%dma_start3A_197, %dma_start3A_198] : memref<10112x32xf32, #tpu.memory_space<vmem_shared>> -> memref<10112x32xf32, #tpu.memory_space<vmem_shared>>
        tpu.enqueue_indirect_dma source(%arg12 : memref<128x32xf32, #tpu.memory_space<vmem>>) target(%dma_start3A_199 : memref<10112x32xf32, #tpu.memory_space<vmem_shared>>) offsets(%dma_start3A_196 : memref<128xi32, #tpu.memory_space<vmem>>) semaphore(%run_scoped3A : memref<!tpu.dma_semaphore, #tpu.memory_space<semaphore_mem>>) {add = true}
        %dma_wait3A_200 = arith.constant 0 : i32
        %dma_wait3A_201 = tpu.memref_slice %arg7[%add3A_116, %dma_wait3A_200] : memref<80x128xi32, #tpu.memory_space<vmem>> -> memref<1x128xi32, #tpu.memory_space<vmem>>
        %dma_wait3A_202 = tpu.memref_squeeze %dma_wait3A_201 : memref<1x128xi32, #tpu.memory_space<vmem>> -> memref<128xi32, #tpu.memory_space<vmem>>
        %dma_wait3A_203 = arith.constant 0 : i32
        %dma_wait3A_204 = arith.constant 0 : i32
        %dma_wait3A_205 = tpu.memref_slice %arg17[%dma_wait3A_203, %dma_wait3A_204] : memref<10112x32xf32, #tpu.memory_space<vmem_shared>> -> memref<10112x32xf32, #tpu.memory_space<vmem_shared>>
        tpu.wait_indirect_dma semaphore(%run_scoped3A : memref<!tpu.dma_semaphore, #tpu.memory_space<semaphore_mem>>) src(%arg12 : memref<128x32xf32, #tpu.memory_space<vmem>>) dst(%dma_wait3A_205 : memref<10112x32xf32, #tpu.memory_space<vmem_shared>>)
        tpu.yield
      }) : () -> ()
      %add3A_117 = arith.constant 8 : i32
      %add3A_118 = arith.addi %add3A_61, %add3A_117 : i32
      %add3A_119 = arith.constant 3 : i32
      %add3A_120 = arith.addi %add3A_118, %add3A_119 : i32
      %lt3A_121 = arith.constant 80 : i32
      %lt3A_122 = arith.cmpi slt, %add3A_120, %lt3A_121 : i32
      %convert_element_type3A_123 = arith.extui %lt3A_122 : i1 to i32
      %cond3A_124 = arith.constant 0 : i32
      %cond3A_125 = arith.cmpi ne, %convert_element_type3A_123, %cond3A_124 : i32
      scf.if %cond3A_125 {
        %add3A_194 = arith.constant 8 : i32
        %add3A_195 = arith.addi %add3A_61, %add3A_194 : i32
        %add3A_196 = arith.constant 3 : i32
        %add3A_197 = arith.addi %add3A_195, %add3A_196 : i32
        %mul3A_198 = arith.constant 128 : i32
        %mul3A_199 = arith.muli %add3A_197, %mul3A_198 : i32
        %dma_start3A_200 = tpu.memref_slice %arg8[%mul3A_199] : memref<10240xi32, #tpu.memory_space<vmem>> -> memref<128xi32, #tpu.memory_space<vmem>>
        %dma_start3A_201 = arith.constant 0 : i32
        %dma_start3A_202 = arith.constant 0 : i32
        %dma_start3A_203 = tpu.memref_slice %arg2[%dma_start3A_201, %dma_start3A_202] : memref<10000x32xf32, #tpu.memory_space<hbm>> -> memref<10000x32xf32, #tpu.memory_space<hbm>>
        tpu.enqueue_indirect_dma source(%dma_start3A_203 : memref<10000x32xf32, #tpu.memory_space<hbm>>) target(%arg12 : memref<128x32xf32, #tpu.memory_space<vmem>>) offsets(%dma_start3A_200 : memref<128xi32, #tpu.memory_space<vmem>>) semaphore(%arg21 : memref<!tpu.dma_semaphore, #tpu.memory_space<semaphore_mem>>)
      } else {
      }
      %dma_wait3A_126 = arith.constant 0 : i32
      %dma_wait3A_127 = arith.constant 0 : i32
      %dma_wait3A_128 = tpu.memref_slice %arg2[%dma_wait3A_126, %dma_wait3A_127] : memref<10000x32xf32, #tpu.memory_space<hbm>> -> memref<128x32xf32, #tpu.memory_space<hbm>>
      %dma_wait3A_129 = arith.constant 0 : i32
      %dma_wait3A_130 = arith.constant 0 : i32
      %dma_wait3A_131 = tpu.memref_slice %arg2[%dma_wait3A_129, %dma_wait3A_130] : memref<10000x32xf32, #tpu.memory_space<hbm>> -> memref<128x32xf32, #tpu.memory_space<hbm>>
      tpu.wait_dma2 semaphore(%arg22 : memref<!tpu.dma_semaphore, #tpu.memory_space<semaphore_mem>>) src(%dma_wait3A_131 : memref<128x32xf32, #tpu.memory_space<hbm>>) dst(%arg13 : memref<128x32xf32, #tpu.memory_space<vmem>>)
      %add3A_132 = arith.constant 4 : i32
      %add3A_133 = arith.addi %add3A_61, %add3A_132 : i32
      "tpu.region"() ({
        %run_scoped3A = tpu.sem_alloc : memref<!tpu.dma_semaphore, #tpu.memory_space<semaphore_mem>>
        %dma_start3A_194 = arith.constant 0 : i32
        %dma_start3A_195 = tpu.memref_slice %arg7[%add3A_133, %dma_start3A_194] : memref<80x128xi32, #tpu.memory_space<vmem>> -> memref<1x128xi32, #tpu.memory_space<vmem>>
        %dma_start3A_196 = tpu.memref_squeeze %dma_start3A_195 : memref<1x128xi32, #tpu.memory_space<vmem>> -> memref<128xi32, #tpu.memory_space<vmem>>
        %dma_start3A_197 = arith.constant 0 : i32
        %dma_start3A_198 = arith.constant 0 : i32
        %dma_start3A_199 = tpu.memref_slice %arg17[%dma_start3A_197, %dma_start3A_198] : memref<10112x32xf32, #tpu.memory_space<vmem_shared>> -> memref<10112x32xf32, #tpu.memory_space<vmem_shared>>
        tpu.enqueue_indirect_dma source(%arg13 : memref<128x32xf32, #tpu.memory_space<vmem>>) target(%dma_start3A_199 : memref<10112x32xf32, #tpu.memory_space<vmem_shared>>) offsets(%dma_start3A_196 : memref<128xi32, #tpu.memory_space<vmem>>) semaphore(%run_scoped3A : memref<!tpu.dma_semaphore, #tpu.memory_space<semaphore_mem>>) {add = true}
        %dma_wait3A_200 = arith.constant 0 : i32
        %dma_wait3A_201 = tpu.memref_slice %arg7[%add3A_133, %dma_wait3A_200] : memref<80x128xi32, #tpu.memory_space<vmem>> -> memref<1x128xi32, #tpu.memory_space<vmem>>
        %dma_wait3A_202 = tpu.memref_squeeze %dma_wait3A_201 : memref<1x128xi32, #tpu.memory_space<vmem>> -> memref<128xi32, #tpu.memory_space<vmem>>
        %dma_wait3A_203 = arith.constant 0 : i32
        %dma_wait3A_204 = arith.constant 0 : i32
        %dma_wait3A_205 = tpu.memref_slice %arg17[%dma_wait3A_203, %dma_wait3A_204] : memref<10112x32xf32, #tpu.memory_space<vmem_shared>> -> memref<10112x32xf32, #tpu.memory_space<vmem_shared>>
        tpu.wait_indirect_dma semaphore(%run_scoped3A : memref<!tpu.dma_semaphore, #tpu.memory_space<semaphore_mem>>) src(%arg13 : memref<128x32xf32, #tpu.memory_space<vmem>>) dst(%dma_wait3A_205 : memref<10112x32xf32, #tpu.memory_space<vmem_shared>>)
        tpu.yield
      }) : () -> ()
      %add3A_134 = arith.constant 8 : i32
      %add3A_135 = arith.addi %add3A_61, %add3A_134 : i32
      %add3A_136 = arith.constant 4 : i32
      %add3A_137 = arith.addi %add3A_135, %add3A_136 : i32
      %lt3A_138 = arith.constant 80 : i32
      %lt3A_139 = arith.cmpi slt, %add3A_137, %lt3A_138 : i32
      %convert_element_type3A_140 = arith.extui %lt3A_139 : i1 to i32
      %cond3A_141 = arith.constant 0 : i32
      %cond3A_142 = arith.cmpi ne, %convert_element_type3A_140, %cond3A_141 : i32
      scf.if %cond3A_142 {
        %add3A_194 = arith.constant 8 : i32
        %add3A_195 = arith.addi %add3A_61, %add3A_194 : i32
        %add3A_196 = arith.constant 4 : i32
        %add3A_197 = arith.addi %add3A_195, %add3A_196 : i32
        %mul3A_198 = arith.constant 128 : i32
        %mul3A_199 = arith.muli %add3A_197, %mul3A_198 : i32
        %dma_start3A_200 = tpu.memref_slice %arg8[%mul3A_199] : memref<10240xi32, #tpu.memory_space<vmem>> -> memref<128xi32, #tpu.memory_space<vmem>>
        %dma_start3A_201 = arith.constant 0 : i32
        %dma_start3A_202 = arith.constant 0 : i32
        %dma_start3A_203 = tpu.memref_slice %arg2[%dma_start3A_201, %dma_start3A_202] : memref<10000x32xf32, #tpu.memory_space<hbm>> -> memref<10000x32xf32, #tpu.memory_space<hbm>>
        tpu.enqueue_indirect_dma source(%dma_start3A_203 : memref<10000x32xf32, #tpu.memory_space<hbm>>) target(%arg13 : memref<128x32xf32, #tpu.memory_space<vmem>>) offsets(%dma_start3A_200 : memref<128xi32, #tpu.memory_space<vmem>>) semaphore(%arg22 : memref<!tpu.dma_semaphore, #tpu.memory_space<semaphore_mem>>)
      } else {
      }
      %dma_wait3A_143 = arith.constant 0 : i32
      %dma_wait3A_144 = arith.constant 0 : i32
      %dma_wait3A_145 = tpu.memref_slice %arg2[%dma_wait3A_143, %dma_wait3A_144] : memref<10000x32xf32, #tpu.memory_space<hbm>> -> memref<128x32xf32, #tpu.memory_space<hbm>>
      %dma_wait3A_146 = arith.constant 0 : i32
      %dma_wait3A_147 = arith.constant 0 : i32
      %dma_wait3A_148 = tpu.memref_slice %arg2[%dma_wait3A_146, %dma_wait3A_147] : memref<10000x32xf32, #tpu.memory_space<hbm>> -> memref<128x32xf32, #tpu.memory_space<hbm>>
      tpu.wait_dma2 semaphore(%arg23 : memref<!tpu.dma_semaphore, #tpu.memory_space<semaphore_mem>>) src(%dma_wait3A_148 : memref<128x32xf32, #tpu.memory_space<hbm>>) dst(%arg14 : memref<128x32xf32, #tpu.memory_space<vmem>>)
      %add3A_149 = arith.constant 5 : i32
      %add3A_150 = arith.addi %add3A_61, %add3A_149 : i32
      "tpu.region"() ({
        %run_scoped3A = tpu.sem_alloc : memref<!tpu.dma_semaphore, #tpu.memory_space<semaphore_mem>>
        %dma_start3A_194 = arith.constant 0 : i32
        %dma_start3A_195 = tpu.memref_slice %arg7[%add3A_150, %dma_start3A_194] : memref<80x128xi32, #tpu.memory_space<vmem>> -> memref<1x128xi32, #tpu.memory_space<vmem>>
        %dma_start3A_196 = tpu.memref_squeeze %dma_start3A_195 : memref<1x128xi32, #tpu.memory_space<vmem>> -> memref<128xi32, #tpu.memory_space<vmem>>
        %dma_start3A_197 = arith.constant 0 : i32
        %dma_start3A_198 = arith.constant 0 : i32
        %dma_start3A_199 = tpu.memref_slice %arg17[%dma_start3A_197, %dma_start3A_198] : memref<10112x32xf32, #tpu.memory_space<vmem_shared>> -> memref<10112x32xf32, #tpu.memory_space<vmem_shared>>
        tpu.enqueue_indirect_dma source(%arg14 : memref<128x32xf32, #tpu.memory_space<vmem>>) target(%dma_start3A_199 : memref<10112x32xf32, #tpu.memory_space<vmem_shared>>) offsets(%dma_start3A_196 : memref<128xi32, #tpu.memory_space<vmem>>) semaphore(%run_scoped3A : memref<!tpu.dma_semaphore, #tpu.memory_space<semaphore_mem>>) {add = true}
        %dma_wait3A_200 = arith.constant 0 : i32
        %dma_wait3A_201 = tpu.memref_slice %arg7[%add3A_150, %dma_wait3A_200] : memref<80x128xi32, #tpu.memory_space<vmem>> -> memref<1x128xi32, #tpu.memory_space<vmem>>
        %dma_wait3A_202 = tpu.memref_squeeze %dma_wait3A_201 : memref<1x128xi32, #tpu.memory_space<vmem>> -> memref<128xi32, #tpu.memory_space<vmem>>
        %dma_wait3A_203 = arith.constant 0 : i32
        %dma_wait3A_204 = arith.constant 0 : i32
        %dma_wait3A_205 = tpu.memref_slice %arg17[%dma_wait3A_203, %dma_wait3A_204] : memref<10112x32xf32, #tpu.memory_space<vmem_shared>> -> memref<10112x32xf32, #tpu.memory_space<vmem_shared>>
        tpu.wait_indirect_dma semaphore(%run_scoped3A : memref<!tpu.dma_semaphore, #tpu.memory_space<semaphore_mem>>) src(%arg14 : memref<128x32xf32, #tpu.memory_space<vmem>>) dst(%dma_wait3A_205 : memref<10112x32xf32, #tpu.memory_space<vmem_shared>>)
        tpu.yield
      }) : () -> ()
      %add3A_151 = arith.constant 8 : i32
      %add3A_152 = arith.addi %add3A_61, %add3A_151 : i32
      %add3A_153 = arith.constant 5 : i32
      %add3A_154 = arith.addi %add3A_152, %add3A_153 : i32
      %lt3A_155 = arith.constant 80 : i32
      %lt3A_156 = arith.cmpi slt, %add3A_154, %lt3A_155 : i32
      %convert_element_type3A_157 = arith.extui %lt3A_156 : i1 to i32
      %cond3A_158 = arith.constant 0 : i32
      %cond3A_159 = arith.cmpi ne, %convert_element_type3A_157, %cond3A_158 : i32
      scf.if %cond3A_159 {
        %add3A_194 = arith.constant 8 : i32
        %add3A_195 = arith.addi %add3A_61, %add3A_194 : i32
        %add3A_196 = arith.constant 5 : i32
        %add3A_197 = arith.addi %add3A_195, %add3A_196 : i32
        %mul3A_198 = arith.constant 128 : i32
        %mul3A_199 = arith.muli %add3A_197, %mul3A_198 : i32
        %dma_start3A_200 = tpu.memref_slice %arg8[%mul3A_199] : memref<10240xi32, #tpu.memory_space<vmem>> -> memref<128xi32, #tpu.memory_space<vmem>>
        %dma_start3A_201 = arith.constant 0 : i32
        %dma_start3A_202 = arith.constant 0 : i32
        %dma_start3A_203 = tpu.memref_slice %arg2[%dma_start3A_201, %dma_start3A_202] : memref<10000x32xf32, #tpu.memory_space<hbm>> -> memref<10000x32xf32, #tpu.memory_space<hbm>>
        tpu.enqueue_indirect_dma source(%dma_start3A_203 : memref<10000x32xf32, #tpu.memory_space<hbm>>) target(%arg14 : memref<128x32xf32, #tpu.memory_space<vmem>>) offsets(%dma_start3A_200 : memref<128xi32, #tpu.memory_space<vmem>>) semaphore(%arg23 : memref<!tpu.dma_semaphore, #tpu.memory_space<semaphore_mem>>)
      } else {
      }
      %dma_wait3A_160 = arith.constant 0 : i32
      %dma_wait3A_161 = arith.constant 0 : i32
      %dma_wait3A_162 = tpu.memref_slice %arg2[%dma_wait3A_160, %dma_wait3A_161] : memref<10000x32xf32, #tpu.memory_space<hbm>> -> memref<128x32xf32, #tpu.memory_space<hbm>>
      %dma_wait3A_163 = arith.constant 0 : i32
      %dma_wait3A_164 = arith.constant 0 : i32
      %dma_wait3A_165 = tpu.memref_slice %arg2[%dma_wait3A_163, %dma_wait3A_164] : memref<10000x32xf32, #tpu.memory_space<hbm>> -> memref<128x32xf32, #tpu.memory_space<hbm>>
      tpu.wait_dma2 semaphore(%arg24 : memref<!tpu.dma_semaphore, #tpu.memory_space<semaphore_mem>>) src(%dma_wait3A_165 : memref<128x32xf32, #tpu.memory_space<hbm>>) dst(%arg15 : memref<128x32xf32, #tpu.memory_space<vmem>>)
      %add3A_166 = arith.constant 6 : i32
      %add3A_167 = arith.addi %add3A_61, %add3A_166 : i32
      "tpu.region"() ({
        %run_scoped3A = tpu.sem_alloc : memref<!tpu.dma_semaphore, #tpu.memory_space<semaphore_mem>>
        %dma_start3A_194 = arith.constant 0 : i32
        %dma_start3A_195 = tpu.memref_slice %arg7[%add3A_167, %dma_start3A_194] : memref<80x128xi32, #tpu.memory_space<vmem>> -> memref<1x128xi32, #tpu.memory_space<vmem>>
        %dma_start3A_196 = tpu.memref_squeeze %dma_start3A_195 : memref<1x128xi32, #tpu.memory_space<vmem>> -> memref<128xi32, #tpu.memory_space<vmem>>
        %dma_start3A_197 = arith.constant 0 : i32
        %dma_start3A_198 = arith.constant 0 : i32
        %dma_start3A_199 = tpu.memref_slice %arg17[%dma_start3A_197, %dma_start3A_198] : memref<10112x32xf32, #tpu.memory_space<vmem_shared>> -> memref<10112x32xf32, #tpu.memory_space<vmem_shared>>
        tpu.enqueue_indirect_dma source(%arg15 : memref<128x32xf32, #tpu.memory_space<vmem>>) target(%dma_start3A_199 : memref<10112x32xf32, #tpu.memory_space<vmem_shared>>) offsets(%dma_start3A_196 : memref<128xi32, #tpu.memory_space<vmem>>) semaphore(%run_scoped3A : memref<!tpu.dma_semaphore, #tpu.memory_space<semaphore_mem>>) {add = true}
        %dma_wait3A_200 = arith.constant 0 : i32
        %dma_wait3A_201 = tpu.memref_slice %arg7[%add3A_167, %dma_wait3A_200] : memref<80x128xi32, #tpu.memory_space<vmem>> -> memref<1x128xi32, #tpu.memory_space<vmem>>
        %dma_wait3A_202 = tpu.memref_squeeze %dma_wait3A_201 : memref<1x128xi32, #tpu.memory_space<vmem>> -> memref<128xi32, #tpu.memory_space<vmem>>
        %dma_wait3A_203 = arith.constant 0 : i32
        %dma_wait3A_204 = arith.constant 0 : i32
        %dma_wait3A_205 = tpu.memref_slice %arg17[%dma_wait3A_203, %dma_wait3A_204] : memref<10112x32xf32, #tpu.memory_space<vmem_shared>> -> memref<10112x32xf32, #tpu.memory_space<vmem_shared>>
        tpu.wait_indirect_dma semaphore(%run_scoped3A : memref<!tpu.dma_semaphore, #tpu.memory_space<semaphore_mem>>) src(%arg15 : memref<128x32xf32, #tpu.memory_space<vmem>>) dst(%dma_wait3A_205 : memref<10112x32xf32, #tpu.memory_space<vmem_shared>>)
        tpu.yield
      }) : () -> ()
      %add3A_168 = arith.constant 8 : i32
      %add3A_169 = arith.addi %add3A_61, %add3A_168 : i32
      %add3A_170 = arith.constant 6 : i32
      %add3A_171 = arith.addi %add3A_169, %add3A_170 : i32
      %lt3A_172 = arith.constant 80 : i32
      %lt3A_173 = arith.cmpi slt, %add3A_171, %lt3A_172 : i32
      %convert_element_type3A_174 = arith.extui %lt3A_173 : i1 to i32
      %cond3A_175 = arith.constant 0 : i32
      %cond3A_176 = arith.cmpi ne, %convert_element_type3A_174, %cond3A_175 : i32
      scf.if %cond3A_176 {
        %add3A_194 = arith.constant 8 : i32
        %add3A_195 = arith.addi %add3A_61, %add3A_194 : i32
        %add3A_196 = arith.constant 6 : i32
        %add3A_197 = arith.addi %add3A_195, %add3A_196 : i32
        %mul3A_198 = arith.constant 128 : i32
        %mul3A_199 = arith.muli %add3A_197, %mul3A_198 : i32
        %dma_start3A_200 = tpu.memref_slice %arg8[%mul3A_199] : memref<10240xi32, #tpu.memory_space<vmem>> -> memref<128xi32, #tpu.memory_space<vmem>>
        %dma_start3A_201 = arith.constant 0 : i32
        %dma_start3A_202 = arith.constant 0 : i32
        %dma_start3A_203 = tpu.memref_slice %arg2[%dma_start3A_201, %dma_start3A_202] : memref<10000x32xf32, #tpu.memory_space<hbm>> -> memref<10000x32xf32, #tpu.memory_space<hbm>>
        tpu.enqueue_indirect_dma source(%dma_start3A_203 : memref<10000x32xf32, #tpu.memory_space<hbm>>) target(%arg15 : memref<128x32xf32, #tpu.memory_space<vmem>>) offsets(%dma_start3A_200 : memref<128xi32, #tpu.memory_space<vmem>>) semaphore(%arg24 : memref<!tpu.dma_semaphore, #tpu.memory_space<semaphore_mem>>)
      } else {
      }
      %dma_wait3A_177 = arith.constant 0 : i32
      %dma_wait3A_178 = arith.constant 0 : i32
      %dma_wait3A_179 = tpu.memref_slice %arg2[%dma_wait3A_177, %dma_wait3A_178] : memref<10000x32xf32, #tpu.memory_space<hbm>> -> memref<128x32xf32, #tpu.memory_space<hbm>>
      %dma_wait3A_180 = arith.constant 0 : i32
      %dma_wait3A_181 = arith.constant 0 : i32
      %dma_wait3A_182 = tpu.memref_slice %arg2[%dma_wait3A_180, %dma_wait3A_181] : memref<10000x32xf32, #tpu.memory_space<hbm>> -> memref<128x32xf32, #tpu.memory_space<hbm>>
      tpu.wait_dma2 semaphore(%arg25 : memref<!tpu.dma_semaphore, #tpu.memory_space<semaphore_mem>>) src(%dma_wait3A_182 : memref<128x32xf32, #tpu.memory_space<hbm>>) dst(%arg16 : memref<128x32xf32, #tpu.memory_space<vmem>>)
      %add3A_183 = arith.constant 7 : i32
      %add3A_184 = arith.addi %add3A_61, %add3A_183 : i32
      "tpu.region"() ({
        %run_scoped3A = tpu.sem_alloc : memref<!tpu.dma_semaphore, #tpu.memory_space<semaphore_mem>>
        %dma_start3A_194 = arith.constant 0 : i32
        %dma_start3A_195 = tpu.memref_slice %arg7[%add3A_184, %dma_start3A_194] : memref<80x128xi32, #tpu.memory_space<vmem>> -> memref<1x128xi32, #tpu.memory_space<vmem>>
        %dma_start3A_196 = tpu.memref_squeeze %dma_start3A_195 : memref<1x128xi32, #tpu.memory_space<vmem>> -> memref<128xi32, #tpu.memory_space<vmem>>
        %dma_start3A_197 = arith.constant 0 : i32
        %dma_start3A_198 = arith.constant 0 : i32
        %dma_start3A_199 = tpu.memref_slice %arg17[%dma_start3A_197, %dma_start3A_198] : memref<10112x32xf32, #tpu.memory_space<vmem_shared>> -> memref<10112x32xf32, #tpu.memory_space<vmem_shared>>
        tpu.enqueue_indirect_dma source(%arg16 : memref<128x32xf32, #tpu.memory_space<vmem>>) target(%dma_start3A_199 : memref<10112x32xf32, #tpu.memory_space<vmem_shared>>) offsets(%dma_start3A_196 : memref<128xi32, #tpu.memory_space<vmem>>) semaphore(%run_scoped3A : memref<!tpu.dma_semaphore, #tpu.memory_space<semaphore_mem>>) {add = true}
        %dma_wait3A_200 = arith.constant 0 : i32
        %dma_wait3A_201 = tpu.memref_slice %arg7[%add3A_184, %dma_wait3A_200] : memref<80x128xi32, #tpu.memory_space<vmem>> -> memref<1x128xi32, #tpu.memory_space<vmem>>
        %dma_wait3A_202 = tpu.memref_squeeze %dma_wait3A_201 : memref<1x128xi32, #tpu.memory_space<vmem>> -> memref<128xi32, #tpu.memory_space<vmem>>
        %dma_wait3A_203 = arith.constant 0 : i32
        %dma_wait3A_204 = arith.constant 0 : i32
        %dma_wait3A_205 = tpu.memref_slice %arg17[%dma_wait3A_203, %dma_wait3A_204] : memref<10112x32xf32, #tpu.memory_space<vmem_shared>> -> memref<10112x32xf32, #tpu.memory_space<vmem_shared>>
        tpu.wait_indirect_dma semaphore(%run_scoped3A : memref<!tpu.dma_semaphore, #tpu.memory_space<semaphore_mem>>) src(%arg16 : memref<128x32xf32, #tpu.memory_space<vmem>>) dst(%dma_wait3A_205 : memref<10112x32xf32, #tpu.memory_space<vmem_shared>>)
        tpu.yield
      }) : () -> ()
      %add3A_185 = arith.constant 8 : i32
      %add3A_186 = arith.addi %add3A_61, %add3A_185 : i32
      %add3A_187 = arith.constant 7 : i32
      %add3A_188 = arith.addi %add3A_186, %add3A_187 : i32
      %lt3A_189 = arith.constant 80 : i32
      %lt3A_190 = arith.cmpi slt, %add3A_188, %lt3A_189 : i32
      %convert_element_type3A_191 = arith.extui %lt3A_190 : i1 to i32
      %cond3A_192 = arith.constant 0 : i32
      %cond3A_193 = arith.cmpi ne, %convert_element_type3A_191, %cond3A_192 : i32
      scf.if %cond3A_193 {
        %add3A_194 = arith.constant 8 : i32
        %add3A_195 = arith.addi %add3A_61, %add3A_194 : i32
        %add3A_196 = arith.constant 7 : i32
        %add3A_197 = arith.addi %add3A_195, %add3A_196 : i32
        %mul3A_198 = arith.constant 128 : i32
        %mul3A_199 = arith.muli %add3A_197, %mul3A_198 : i32
        %dma_start3A_200 = tpu.memref_slice %arg8[%mul3A_199] : memref<10240xi32, #tpu.memory_space<vmem>> -> memref<128xi32, #tpu.memory_space<vmem>>
        %dma_start3A_201 = arith.constant 0 : i32
        %dma_start3A_202 = arith.constant 0 : i32
        %dma_start3A_203 = tpu.memref_slice %arg2[%dma_start3A_201, %dma_start3A_202] : memref<10000x32xf32, #tpu.memory_space<hbm>> -> memref<10000x32xf32, #tpu.memory_space<hbm>>
        tpu.enqueue_indirect_dma source(%dma_start3A_203 : memref<10000x32xf32, #tpu.memory_space<hbm>>) target(%arg16 : memref<128x32xf32, #tpu.memory_space<vmem>>) offsets(%dma_start3A_200 : memref<128xi32, #tpu.memory_space<vmem>>) semaphore(%arg25 : memref<!tpu.dma_semaphore, #tpu.memory_space<semaphore_mem>>)
      } else {
      }
    }
    %scan3A_51 = arith.constant 10 : i32
    %barrier3A_52 = arith.constant 0 : index
    tpu.barrier barrier_id(%barrier3A_52)
    %mul3A_53 = arith.constant 632 : i32
    %mul3A_54 = arith.muli %arg1, %mul3A_53 : i32
    %mul3A_55 = arith.constant 632 : i32
    %mul3A_56 = arith.muli %arg1, %mul3A_55 : i32
    "tpu.region"() ({
      %run_scoped3A = tpu.sem_alloc : memref<!tpu.dma_semaphore, #tpu.memory_space<semaphore_mem>>
      %dma_start3A_57 = arith.constant 0 : i32
      %dma_start3A_58 = tpu.memref_slice %arg6[%arg0, %mul3A_56, %dma_start3A_57] : memref<2x10112x32xf32, #tpu.memory_space<hbm>> -> memref<1x632x32xf32, #tpu.memory_space<hbm>>
      %dma_start3A_59 = tpu.memref_squeeze %dma_start3A_58 : memref<1x632x32xf32, #tpu.memory_space<hbm>> -> memref<632x32xf32, #tpu.memory_space<hbm>>
      %dma_start3A_60 = arith.constant 0 : i32
      %dma_start3A_61 = tpu.memref_slice %arg17[%mul3A_54, %dma_start3A_60] : memref<10112x32xf32, #tpu.memory_space<vmem_shared>> -> memref<632x32xf32, #tpu.memory_space<vmem_shared>>
      tpu.enqueue_dma source(%dma_start3A_61 : memref<632x32xf32, #tpu.memory_space<vmem_shared>>) target(%dma_start3A_59 : memref<632x32xf32, #tpu.memory_space<hbm>>) target_semaphore(%run_scoped3A : memref<!tpu.dma_semaphore, #tpu.memory_space<semaphore_mem>>)
      %dma_wait3A = arith.constant 0 : i32
      %dma_wait3A_62 = tpu.memref_slice %arg6[%arg0, %mul3A_56, %dma_wait3A] : memref<2x10112x32xf32, #tpu.memory_space<hbm>> -> memref<1x632x32xf32, #tpu.memory_space<hbm>>
      %dma_wait3A_63 = tpu.memref_squeeze %dma_wait3A_62 : memref<1x632x32xf32, #tpu.memory_space<hbm>> -> memref<632x32xf32, #tpu.memory_space<hbm>>
      %dma_wait3A_64 = arith.constant 0 : i32
      %dma_wait3A_65 = tpu.memref_slice %arg17[%mul3A_54, %dma_wait3A_64] : memref<10112x32xf32, #tpu.memory_space<vmem_shared>> -> memref<632x32xf32, #tpu.memory_space<vmem_shared>>
      tpu.wait_dma2 semaphore(%run_scoped3A : memref<!tpu.dma_semaphore, #tpu.memory_space<semaphore_mem>>) src(%dma_wait3A_65 : memref<632x32xf32, #tpu.memory_space<vmem_shared>>) dst(%dma_wait3A_63 : memref<632x32xf32, #tpu.memory_space<hbm>>)
      tpu.yield
    }) : () -> ()
    return
  }
}

module attributes {stable_mosaic.version = 14 : i64} {
  func.func @body(%arg0: i32, %arg1: memref<2048x128xf32, #tpu.memory_space<vmem>>, %arg2: memref<128x32xf32, #tpu.memory_space<vmem>>, %arg3: memref<2048x32xf32, #tpu.memory_space<vmem>>) attributes {dimension_semantics = [#tpu.dimension_semantics<arbitrary>], iteration_bounds = array<i64: 5>, scalar_prefetch = 0 : i64, scratch_operands = 0 : i64, tpu.core_type = #tpu.core_type<tc>, window_params = [{transform_indices = @transform_0, window_bounds = array<i64: 2048, 128>}, {pipeline_mode = #tpu.pipeline_mode<synchronous>, transform_indices = @transform_1, window_bounds = array<i64: 128, 32>}, {transform_indices = @transform_2, window_bounds = array<i64: 2048, 32>}]} {
    %get3A = arith.constant 0 : index
    %get3A_0 = arith.constant 0 : index
    %get3A_1 = vector.load %arg1[%get3A, %get3A_0] : memref<2048x128xf32, #tpu.memory_space<vmem>>, vector<2048x128xf32>
    %get3A_2 = arith.constant 0 : index
    %get3A_3 = arith.constant 0 : index
    %get3A_4 = vector.load %arg2[%get3A_2, %get3A_3] : memref<128x32xf32, #tpu.memory_space<vmem>>, vector<128x32xf32>
    %dot_general3A = arith.constant dense<0.000000e+00> : vector<2048x32xf32>
    %dot_general3A_5 = tpu.matmul %get3A_1, %get3A_4, %dot_general3A {dimension_numbers = #tpu.dot_dimension_numbers<[1], [0], [0], [1], [0, 0, 1, 1], [], []>, transpose_lhs_hint = false} : vector<2048x128xf32>, vector<128x32xf32>, vector<2048x32xf32> -> vector<2048x32xf32>
    %swap3A = arith.constant 0 : index
    %swap3A_6 = arith.constant 0 : index
    %swap3A_7 = vector.load %arg3[%swap3A, %swap3A_6] : memref<2048x32xf32, #tpu.memory_space<vmem>>, vector<2048x32xf32>
    tpu.vector_store %arg3[%swap3A, %swap3A_6], %dot_general3A_5 {strides = array<i32>} : memref<2048x32xf32, #tpu.memory_space<vmem>>, vector<2048x32xf32>,
    return
  }
  func.func @transform_0(%arg0: i32) -> (i32, i32) {
    %c0_i32 = arith.constant 0 : i32
    %c0_i32_0 = arith.constant 0 : i32
    return %arg0, %c0_i32 : i32, i32
  }
  func.func @transform_1(%arg0: i32) -> (i32, i32) {
    %c0_i32 = arith.constant 0 : i32
    %c0_i32_0 = arith.constant 0 : i32
    %c0_i32_1 = arith.constant 0 : i32
    return %c0_i32, %c0_i32_0 : i32, i32
  }
  func.func @transform_2(%arg0: i32) -> (i32, i32) {
    %c0_i32 = arith.constant 0 : i32
    %c0_i32_0 = arith.constant 0 : i32
    return %arg0, %c0_i32 : i32, i32
  }
}

module attributes {stable_mosaic.version = 14 : i64} {
  func.func @body(%arg0: i32, %arg1: memref<32x2048xf32, #tpu.memory_space<vmem>>, %arg2: memref<2048x32xf32, #tpu.memory_space<vmem>>, %arg3: memref<2048x1xf32, #tpu.memory_space<vmem>>, %arg4: memref<2048x32xf32, #tpu.memory_space<vmem>>) attributes {dimension_semantics = [#tpu.dimension_semantics<arbitrary>], iteration_bounds = array<i64: 5>, scalar_prefetch = 0 : i64, scratch_operands = 0 : i64, tpu.core_type = #tpu.core_type<tc>, window_params = [{transform_indices = @transform_0, window_bounds = array<i64: 32, 2048>}, {transform_indices = @transform_1, window_bounds = array<i64: 2048, 32>}, {transform_indices = @transform_2, window_bounds = array<i64: 2048, 1>}, {transform_indices = @transform_3, window_bounds = array<i64: 2048, 32>}]} {
    %get3A = arith.constant 0 : index
    %get3A_0 = arith.constant 0 : index
    %get3A_1 = vector.load %arg1[%get3A, %get3A_0] : memref<32x2048xf32, #tpu.memory_space<vmem>>, vector<32x2048xf32>
    %reduce_sum3A = arith.constant dense<0.000000e+00> : vector<2048xf32>
    %reduce_sum3A_2 = vector.multi_reduction <add>, %get3A_1, %reduce_sum3A [0] : vector<32x2048xf32> to vector<2048xf32>
    %add3A = arith.constant 1.000000e+00 : f32
    %add3A_3 = vector.broadcast %add3A : f32 to vector<2048xf32>
    %add3A_4 = arith.addf %reduce_sum3A_2, %add3A_3 : vector<2048xf32>
    %rsqrt3A = math.rsqrt %add3A_4 : vector<2048xf32>
    %broadcast_in_dim3A = vector.shape_cast %rsqrt3A : vector<2048xf32> to vector<2048x1xf32>
    %swap3A = arith.constant 0 : index
    %swap3A_5 = arith.constant 0 : index
    %swap3A_6 = vector.load %arg3[%swap3A, %swap3A_5] : memref<2048x1xf32, #tpu.memory_space<vmem>>, vector<2048x1xf32>
    tpu.vector_store %arg3[%swap3A, %swap3A_5], %broadcast_in_dim3A {strides = array<i32>} : memref<2048x1xf32, #tpu.memory_space<vmem>>, vector<2048x1xf32>,
    %get3A_7 = arith.constant 0 : index
    %get3A_8 = arith.constant 0 : index
    %get3A_9 = vector.load %arg2[%get3A_7, %get3A_8] : memref<2048x32xf32, #tpu.memory_space<vmem>>, vector<2048x32xf32>
    %mul3A = vector.broadcast %broadcast_in_dim3A : vector<2048x1xf32> to vector<2048x32xf32>
    %mul3A_10 = arith.mulf %mul3A, %get3A_9 : vector<2048x32xf32>
    %swap3A_11 = arith.constant 0 : index
    %swap3A_12 = arith.constant 0 : index
    %swap3A_13 = vector.load %arg4[%swap3A_11, %swap3A_12] : memref<2048x32xf32, #tpu.memory_space<vmem>>, vector<2048x32xf32>
    tpu.vector_store %arg4[%swap3A_11, %swap3A_12], %mul3A_10 {strides = array<i32>} : memref<2048x32xf32, #tpu.memory_space<vmem>>, vector<2048x32xf32>,
    return
  }
  func.func @transform_0(%arg0: i32) -> (i32, i32) {
    %c0_i32 = arith.constant 0 : i32
    %c0_i32_0 = arith.constant 0 : i32
    return %c0_i32, %arg0 : i32, i32
  }
  func.func @transform_1(%arg0: i32) -> (i32, i32) {
    %c0_i32 = arith.constant 0 : i32
    %c0_i32_0 = arith.constant 0 : i32
    return %arg0, %c0_i32 : i32, i32
  }
  func.func @transform_2(%arg0: i32) -> (i32, i32) {
    %c0_i32 = arith.constant 0 : i32
    %c0_i32_0 = arith.constant 0 : i32
    return %arg0, %c0_i32 : i32, i32
  }
  func.func @transform_3(%arg0: i32) -> (i32, i32) {
    %c0_i32 = arith.constant 0 : i32
    %c0_i32_0 = arith.constant 0 : i32
    return %arg0, %c0_i32 : i32, i32
  }
}

module attributes {stable_mosaic.version = 14 : i64} {
  func.func @body(%arg0: i32, %arg1: memref<2x2048x32xf32, #tpu.memory_space<vmem>>, %arg2: memref<2048x32xf32, #tpu.memory_space<vmem>>, %arg3: memref<2048x1xf32, #tpu.memory_space<vmem>>, %arg4: memref<1x32xf32, #tpu.memory_space<vmem>>, %arg5: memref<32x16xf32, #tpu.memory_space<vmem>>, %arg6: memref<2048x16xf32, #tpu.memory_space<vmem>>) attributes {dimension_semantics = [#tpu.dimension_semantics<arbitrary>], iteration_bounds = array<i64: 5>, scalar_prefetch = 0 : i64, scratch_operands = 0 : i64, tpu.core_type = #tpu.core_type<tc>, window_params = [{transform_indices = @transform_0, window_bounds = array<i64: 2, 2048, 32>}, {transform_indices = @transform_1, window_bounds = array<i64: 2048, 32>}, {transform_indices = @transform_2, window_bounds = array<i64: 2048, 1>}, {pipeline_mode = #tpu.pipeline_mode<synchronous>, transform_indices = @transform_3, window_bounds = array<i64: 1, 32>}, {pipeline_mode = #tpu.pipeline_mode<synchronous>, transform_indices = @transform_4, window_bounds = array<i64: 32, 16>}, {transform_indices = @transform_5, window_bounds = array<i64: 2048, 16>}]} {
    %get3A = arith.constant 0 : index
    %get3A_0 = arith.constant 0 : index
    %get3A_1 = arith.constant 0 : index
    %get3A_2 = vector.load %arg1[%get3A, %get3A_0, %get3A_1] : memref<2x2048x32xf32, #tpu.memory_space<vmem>>, vector<1x2048x32xf32>
    %get3A_3 = vector.shape_cast %get3A_2 : vector<1x2048x32xf32> to vector<2048x32xf32>
    %get3A_4 = arith.constant 1 : index
    %get3A_5 = arith.constant 0 : index
    %get3A_6 = arith.constant 0 : index
    %get3A_7 = vector.load %arg1[%get3A_4, %get3A_5, %get3A_6] : memref<2x2048x32xf32, #tpu.memory_space<vmem>>, vector<1x2048x32xf32>
    %get3A_8 = vector.shape_cast %get3A_7 : vector<1x2048x32xf32> to vector<2048x32xf32>
    %add3A = arith.addf %get3A_3, %get3A_8 : vector<2048x32xf32>
    %get3A_9 = arith.constant 0 : index
    %get3A_10 = arith.constant 0 : index
    %get3A_11 = vector.load %arg2[%get3A_9, %get3A_10] : memref<2048x32xf32, #tpu.memory_space<vmem>>, vector<2048x32xf32>
    %add3A_12 = arith.addf %add3A, %get3A_11 : vector<2048x32xf32>
    %get3A_13 = arith.constant 0 : index
    %get3A_14 = arith.constant 0 : index
    %get3A_15 = vector.load %arg3[%get3A_13, %get3A_14] : memref<2048x1xf32, #tpu.memory_space<vmem>>, vector<2048x1xf32>
    %mul3A = vector.broadcast %get3A_15 : vector<2048x1xf32> to vector<2048x32xf32>
    %mul3A_16 = arith.mulf %mul3A, %add3A_12 : vector<2048x32xf32>
    %get3A_17 = arith.constant 0 : index
    %get3A_18 = arith.constant 0 : index
    %get3A_19 = vector.load %arg4[%get3A_17, %get3A_18] : memref<1x32xf32, #tpu.memory_space<vmem>>, vector<1x32xf32>
    %add3A_20 = vector.broadcast %get3A_19 : vector<1x32xf32> to vector<2048x32xf32>
    %add3A_21 = arith.addf %mul3A_16, %add3A_20 : vector<2048x32xf32>
    %max3A = arith.constant 0.000000e+00 : f32
    %max3A_22 = vector.broadcast %max3A : f32 to vector<2048x32xf32>
    %max3A_23 = arith.maximumf %add3A_21, %max3A_22 : vector<2048x32xf32>
    %get3A_24 = arith.constant 0 : index
    %get3A_25 = arith.constant 0 : index
    %get3A_26 = vector.load %arg3[%get3A_24, %get3A_25] : memref<2048x1xf32, #tpu.memory_space<vmem>>, vector<2048x1xf32>
    %get3A_27 = arith.constant 0 : index
    %get3A_28 = arith.constant 0 : index
    %get3A_29 = vector.load %arg5[%get3A_27, %get3A_28] : memref<32x16xf32, #tpu.memory_space<vmem>>, vector<32x16xf32>
    %dot_general3A = arith.constant dense<0.000000e+00> : vector<2048x16xf32>
    %dot_general3A_30 = tpu.matmul %max3A_23, %get3A_29, %dot_general3A {dimension_numbers = #tpu.dot_dimension_numbers<[1], [0], [0], [1], [0, 0, 1, 1], [], []>, transpose_lhs_hint = false} : vector<2048x32xf32>, vector<32x16xf32>, vector<2048x16xf32> -> vector<2048x16xf32>
    %mul3A_31 = vector.broadcast %get3A_26 : vector<2048x1xf32> to vector<2048x16xf32>
    %mul3A_32 = arith.mulf %mul3A_31, %dot_general3A_30 : vector<2048x16xf32>
    %swap3A = arith.constant 0 : index
    %swap3A_33 = arith.constant 0 : index
    %swap3A_34 = vector.load %arg6[%swap3A, %swap3A_33] : memref<2048x16xf32, #tpu.memory_space<vmem>>, vector<2048x16xf32>
    tpu.vector_store %arg6[%swap3A, %swap3A_33], %mul3A_32 {strides = array<i32>} : memref<2048x16xf32, #tpu.memory_space<vmem>>, vector<2048x16xf32>,
    return
  }
  func.func @transform_0(%arg0: i32) -> (i32, i32, i32) {
    %c0_i32 = arith.constant 0 : i32
    %c0_i32_0 = arith.constant 0 : i32
    %c0_i32_1 = arith.constant 0 : i32
    return %c0_i32, %arg0, %c0_i32_0 : i32, i32, i32
  }
  func.func @transform_1(%arg0: i32) -> (i32, i32) {
    %c0_i32 = arith.constant 0 : i32
    %c0_i32_0 = arith.constant 0 : i32
    return %arg0, %c0_i32 : i32, i32
  }
  func.func @transform_2(%arg0: i32) -> (i32, i32) {
    %c0_i32 = arith.constant 0 : i32
    %c0_i32_0 = arith.constant 0 : i32
    return %arg0, %c0_i32 : i32, i32
  }
  func.func @transform_3(%arg0: i32) -> (i32, i32) {
    %c0_i32 = arith.constant 0 : i32
    %c0_i32_0 = arith.constant 0 : i32
    %c0_i32_1 = arith.constant 0 : i32
    return %c0_i32, %c0_i32_0 : i32, i32
  }
  func.func @transform_4(%arg0: i32) -> (i32, i32) {
    %c0_i32 = arith.constant 0 : i32
    %c0_i32_0 = arith.constant 0 : i32
    %c0_i32_1 = arith.constant 0 : i32
    return %c0_i32, %c0_i32_0 : i32, i32
  }
  func.func @transform_5(%arg0: i32) -> (i32, i32) {
    %c0_i32 = arith.constant 0 : i32
    %c0_i32_0 = arith.constant 0 : i32
    return %arg0, %c0_i32 : i32, i32
  }
}

module attributes {stable_mosaic.version = 14 : i64} {
  func.func @body(%arg0: i32, %arg1: memref<2x2048x16xf32, #tpu.memory_space<vmem>>, %arg2: memref<2048x16xf32, #tpu.memory_space<vmem>>, %arg3: memref<2048x1xf32, #tpu.memory_space<vmem>>, %arg4: memref<1x16xf32, #tpu.memory_space<vmem>>, %arg5: memref<2048x16xf32, #tpu.memory_space<vmem>>) attributes {dimension_semantics = [#tpu.dimension_semantics<arbitrary>], iteration_bounds = array<i64: 5>, scalar_prefetch = 0 : i64, scratch_operands = 0 : i64, tpu.core_type = #tpu.core_type<tc>, window_params = [{transform_indices = @transform_0, window_bounds = array<i64: 2, 2048, 16>}, {transform_indices = @transform_1, window_bounds = array<i64: 2048, 16>}, {transform_indices = @transform_2, window_bounds = array<i64: 2048, 1>}, {pipeline_mode = #tpu.pipeline_mode<synchronous>, transform_indices = @transform_3, window_bounds = array<i64: 1, 16>}, {transform_indices = @transform_4, window_bounds = array<i64: 2048, 16>}]} {
    %get3A = arith.constant 0 : index
    %get3A_0 = arith.constant 0 : index
    %get3A_1 = vector.load %arg3[%get3A, %get3A_0] : memref<2048x1xf32, #tpu.memory_space<vmem>>, vector<2048x1xf32>
    %get3A_2 = arith.constant 0 : index
    %get3A_3 = arith.constant 0 : index
    %get3A_4 = arith.constant 0 : index
    %get3A_5 = vector.load %arg1[%get3A_2, %get3A_3, %get3A_4] : memref<2x2048x16xf32, #tpu.memory_space<vmem>>, vector<1x2048x16xf32>
    %get3A_6 = vector.shape_cast %get3A_5 : vector<1x2048x16xf32> to vector<2048x16xf32>
    %get3A_7 = arith.constant 1 : index
    %get3A_8 = arith.constant 0 : index
    %get3A_9 = arith.constant 0 : index
    %get3A_10 = vector.load %arg1[%get3A_7, %get3A_8, %get3A_9] : memref<2x2048x16xf32, #tpu.memory_space<vmem>>, vector<1x2048x16xf32>
    %get3A_11 = vector.shape_cast %get3A_10 : vector<1x2048x16xf32> to vector<2048x16xf32>
    %add3A = arith.addf %get3A_6, %get3A_11 : vector<2048x16xf32>
    %get3A_12 = arith.constant 0 : index
    %get3A_13 = arith.constant 0 : index
    %get3A_14 = vector.load %arg2[%get3A_12, %get3A_13] : memref<2048x16xf32, #tpu.memory_space<vmem>>, vector<2048x16xf32>
    %add3A_15 = arith.addf %add3A, %get3A_14 : vector<2048x16xf32>
    %mul3A = vector.broadcast %get3A_1 : vector<2048x1xf32> to vector<2048x16xf32>
    %mul3A_16 = arith.mulf %mul3A, %add3A_15 : vector<2048x16xf32>
    %get3A_17 = arith.constant 0 : index
    %get3A_18 = arith.constant 0 : index
    %get3A_19 = vector.load %arg4[%get3A_17, %get3A_18] : memref<1x16xf32, #tpu.memory_space<vmem>>, vector<1x16xf32>
    %add3A_20 = vector.broadcast %get3A_19 : vector<1x16xf32> to vector<2048x16xf32>
    %add3A_21 = arith.addf %mul3A_16, %add3A_20 : vector<2048x16xf32>
    %swap3A = arith.constant 0 : index
    %swap3A_22 = arith.constant 0 : index
    %swap3A_23 = vector.load %arg5[%swap3A, %swap3A_22] : memref<2048x16xf32, #tpu.memory_space<vmem>>, vector<2048x16xf32>
    tpu.vector_store %arg5[%swap3A, %swap3A_22], %add3A_21 {strides = array<i32>} : memref<2048x16xf32, #tpu.memory_space<vmem>>, vector<2048x16xf32>,
    return
  }
  func.func @transform_0(%arg0: i32) -> (i32, i32, i32) {
    %c0_i32 = arith.constant 0 : i32
    %c0_i32_0 = arith.constant 0 : i32
    %c0_i32_1 = arith.constant 0 : i32
    return %c0_i32, %arg0, %c0_i32_0 : i32, i32, i32
  }
  func.func @transform_1(%arg0: i32) -> (i32, i32) {
    %c0_i32 = arith.constant 0 : i32
    %c0_i32_0 = arith.constant 0 : i32
    return %arg0, %c0_i32 : i32, i32
  }
  func.func @transform_2(%arg0: i32) -> (i32, i32) {
    %c0_i32 = arith.constant 0 : i32
    %c0_i32_0 = arith.constant 0 : i32
    return %arg0, %c0_i32 : i32, i32
  }
  func.func @transform_3(%arg0: i32) -> (i32, i32) {
    %c0_i32 = arith.constant 0 : i32
    %c0_i32_0 = arith.constant 0 : i32
    %c0_i32_1 = arith.constant 0 : i32
    return %c0_i32, %c0_i32_0 : i32, i32
  }
  func.func @transform_4(%arg0: i32) -> (i32, i32) {
    %c0_i32 = arith.constant 0 : i32
    %c0_i32_0 = arith.constant 0 : i32
    return %arg0, %c0_i32 : i32, i32
  }
}

</mosaic_0001>

<sc_bundles>
// kernel: kernel.12.cloned.1.call-start
scs
__scs_entry_jumppad:
0x0: {  	(pc) =	sbr.rel $0x88, $3  }
0x1: {  	(tag) =	ssettag $0x0;
	lr =	simm.s32 $0x1  }
0x2: {  	[smem:$0x3F9B] =	sst lr;
	_ =	strace $0xD0000000  }
0x3: {  	_ = 	snop  }
0x4: {  	_ = 	snop  }
0x5: {  	_ = 	snop  }
0x6: {  	_ = 	snop  }
0x7: {  	_ = 	snop  }
__scs_overlays_trampoline_lowered:
0x8: {  	[smem:$0x3FAA] =	sst s0  }
0x9: {  	[smem:$0x3FAB] =	sst s1  }
0xa: {  	[smem:$0x3FAC] =	sst s2  }
0xb: {  	[smem:$0x3FAD] =	sst s3  }
0xc: {  	[smem:$0x3FAE] =	sst s4  }
0xd: {  	[smem:$0x3FAF] =	sst s5  }
0xe: {  	[smem:$0x3FB0] =	sst s6  }
0xf: {  	[smem:$0x3FB1] =	sst s7  }
0x10: {  	[smem:$0x3FB2] =	sst s8  }
0x11: {  	[smem:$0x3FB3] =	sst s9;
	s0 =	simm.s32 @!p0 $0x0  }
0x12: {  	s1 =	sld [smem:$0x3F99];
	s0 =	simm.s32 @p0 $0x1  }
0x13: {  	[smem:$0x3FB4] =	sst s0;
	s0 =	simm.s32 @!p1 $0x0  }
0x14: {  	s2 =	sld [smem:$0x3F98];
	s0 =	simm.s32 @p1 $0x1  }
0x15: {  	[smem:$0x3FB5] =	sst s0;
	s0 =	simm.s32 @!p2 $0x0  }
0x16: {  	s3 =	sld [smem:$0x3FDB];
	s0 =	simm.s32 @p2 $0x1  }
0x17: {  	s4 =	simm.s32 $0x1BF5;
	[smem:$0x3FB7] =	sst s0  }
0x18: {  	s0 =	sld [smem:$0x3F9A];
	_ =	swait.ge [sflag:s4], $0x0  }
0x19: {  	s7 =	sld [smem:$0x3F9B]  }
0x1a: {  	s8 =	sadd.s32 $0xFFFFE003, lr  }
0x1b: {  	s9 =	sadd.s32 $0xFFFFFEF7, lr;
	s5 =	simm.s32 $0xFFFFFFFF;
	p2 =	slt.u32 s8, $0xFFFFF086  }
0x1c: {  	p1 =	slt.u32 s9, $0xF7A;
	s5 =	simm.s32 @!p2 $0x0  }
0x1d: {  	s5 =	simm.s32 @p1 $0x1;
	p0 =	seq.s32 s7, s2  }
0x1e: {  	s7 =	smul.u32 @!p0 $0xF7A, s2;
	p2 =	seq.s32 @!p0 s5, $0x0  }
0x1f: {  	s9 =	smul.u32 $0xF7A, s1;
	s8 =	simm.s32 @!p0 $0x1BF5;
	p2 =	por !p2, p0  }
0x20: {  	[sflag:s8] =	ssyncset.s32 @!p0 $0xFFFFF086;
	s6 =	sadd.s32 @!p0 s3, s7;
	s7 =	simm.s32 @!p0 $0x108  }
0x21: {  	s3 =	sadd.s32 s3, s9;
	s6 =	sadd.s32 @!p0 $0x88, s6;
	s7 =	simm.s32 @p2 $0x1082  }
0x22: {  	[simem:s7], [sflag:s8] =	dma.local @!p0 [hbm:s6], $0xF7A  }
0x23: {  	s9 =	sor.u32 $0xD0000000, s2;
	s6 =	simm.s32 $0x108;
	_ =	swait.ge @!p0 [sflag:s8], $0x0  }
0x24: {  	s3 =	sadd.s32 $0x88, s3;
	s6 =	simm.s32 @!p1 $0x1082;
	[sflag:s4] =	ssyncset.s32 $0xFFFFF086  }
0x25: {  	[simem:s6], [sflag:s4] =	dma.local [hbm:s3], $0xF7A  }
0x26: {  	[smem:$0x3F9B] =	sst s1;
	(tag) =	ssettag s2;
	_ =	strace s9  }
0x27: {  	s1 =	sld [smem:$0x3FAB]  }
0x28: {  	s2 =	sld [smem:$0x3FAC]  }
0x29: {  	s4 =	sld [smem:$0x3FAE]  }
0x2a: {  	p0 =	seq.s32 s5, $0x0;
	s5 =	sld [smem:$0x3FAF]  }
0x2b: {  	s6 =	sld [smem:$0x3FB0]  }
0x2c: {  	s7 =	sld [smem:$0x3FB1]  }
0x2d: {  	s3 =	simm.s32 $0x108;
	s8 =	sld [smem:$0x3FB2]  }
0x2e: {  	s3 =	simm.s32 @!p0 $0x1082;
	s9 =	sld [smem:$0x3FB3]  }
0x2f: {  	lr =	sadd.s32 s0, s3;
	s0 =	sld [smem:$0x3FAA]  }
0x30: {  	s3 =	sld [smem:$0x3FAD]  }
0x31: {  	[smem:$0x3FB6] =	sst s10  }
0x32: {  	s10 =	sld [smem:$0x3FB4];
	_ =	sdelay $0x3  }
0x33: {  	p0 =	seq.s32 s10, $0x1;
	s10 =	sld [smem:$0x3FB6];
	_ =	sdelay $0x3  }
0x34: {  	[smem:$0x3FB6] =	sst s10  }
0x35: {  	s10 =	sld [smem:$0x3FB5];
	_ =	sdelay $0x3  }
0x36: {  	p1 =	seq.s32 s10, $0x1;
	s10 =	sld [smem:$0x3FB6];
	_ =	sdelay $0x3  }
0x37: {  	[smem:$0x3FB6] =	sst s10  }
0x38: {  	s10 =	sld [smem:$0x3FB7]  }
0x39: {  	_ = 	snop;
	(pc) =	sbr.ind lr, $3  }
0x3a: {  	_ = 	snop  }
0x3b: {  	_ = 	snop  }
0x3c: {  	p2 =	seq.s32 s10, $0x1;
	s10 =	sld [smem:$0x3FB6]  }
0x3d: {  	_ =	shalt  }
0x3e: {  	_ =	shalt  }
0x3f: {  	_ =	shalt  }
0x40: {  	_ =	shalt  }
0x41: {  	_ =	shalt  }
0x42: {  	_ =	shalt  }
0x43: {  	_ =	shalt  }
0x44: {  	_ =	shalt  }
0x45: {  	_ =	shalt  }
0x46: {  	_ =	shalt  }
0x47: {  	_ =	shalt  }
0x48: {  	_ =	shalt  }
0x49: {  	_ =	shalt  }
0x4a: {  	_ =	shalt  }
0x4b: {  	_ =	shalt  }
0x4c: {  	_ =	shalt  }
0x4d: {  	_ =	shalt  }
0x4e: {  	_ =	shalt  }
0x4f: {  	_ =	shalt  }
0x50: {  	_ =	shalt  }
0x51: {  	_ =	shalt  }
0x52: {  	_ =	shalt  }
0x53: {  	_ =	shalt  }
0x54: {  	_ =	shalt  }
0x55: {  	_ =	shalt  }
0x56: {  	_ =	shalt  }
0x57: {  	_ =	shalt  }
0x58: {  	_ =	shalt  }
0x59: {  	_ =	shalt  }
0x5a: {  	_ =	shalt  }
0x5b: {  	_ =	shalt  }
0x5c: {  	_ =	shalt  }
0x5d: {  	_ =	shalt  }
0x5e: {  	_ =	shalt  }
0x5f: {  	_ =	shalt  }
0x60: {  	_ =	shalt  }
0x61: {  	_ =	shalt  }
0x62: {  	_ =	shalt  }
0x63: {  	_ =	shalt  }
0x64: {  	_ =	shalt  }
0x65: {  	_ =	shalt  }
0x66: {  	_ =	shalt  }
0x67: {  	_ =	shalt  }
0x68: {  	_ =	shalt  }
0x69: {  	_ =	shalt  }
0x6a: {  	_ =	shalt  }
0x6b: {  	_ =	shalt  }
0x6c: {  	_ =	shalt  }
0x6d: {  	_ =	shalt  }
0x6e: {  	_ =	shalt  }
0x6f: {  	_ =	shalt  }
0x70: {  	_ =	shalt  }
0x71: {  	_ =	shalt  }
0x72: {  	_ =	shalt  }
0x73: {  	_ =	shalt  }
0x74: {  	_ =	shalt  }
0x75: {  	_ =	shalt  }
0x76: {  	_ =	shalt  }
0x77: {  	_ =	shalt  }
0x78: {  	_ =	shalt  }
0x79: {  	_ =	shalt  }
0x7a: {  	_ =	shalt  }
0x7b: {  	_ =	shalt  }
0x7c: {  	_ =	shalt  }
0x7d: {  	_ =	shalt  }
0x7e: {  	_ =	shalt  }
0x7f: {  	_ =	shalt  }
0x80: {  	_ =	shalt  }
0x81: {  	_ =	shalt  }
0x82: {  	_ =	shalt  }
0x83: {  	_ =	shalt  }
0x84: {  	_ =	shalt  }
0x85: {  	_ =	shalt  }
0x86: {  	_ =	shalt  }
0x87: {  	_ =	shalt  }
.Lfunc_end0:
.L_simem_size_0:
called_computation.1_lowered:
.L_overlay_start_0:
0x88: {  	s2 =	sld [smem:$0x3FD9]  }
0x89: {  	s3 =	sld [smem:$0x3FFE];
	_ =	sdelay $0x1  }
0x8a: {  	s1 =	srdreg.scid  }
0x8b: {  	s0 =	sand.u32 $0x1, s1  }
0x8c: {  	s16 =	sshll.u32 s0, $0xA;
	s2 =	sadd.s32 s3, s2  }
0x8d: {  	s2 =	sadd.s32 s2, s16  }
0x8e: {  	[smem:$0x3FC2] =	sst s2  }
0x8f: {  	_ = 	snop  }
0x90: {  	(tm) =	ssettm $0x1  }
0x91: {  	s17 =	sld [smem:$0x3FFB];
	_ =	sdelay $0x3  }
0x92: {  	_ =	strace s17  }
0x93: {  	s2 =	sld [smem:$0x3FFC];
	_ =	sdelay $0x3  }
0x94: {  	_ =	strace s2  }
0x95: {  	s2 =	sld [smem:$0x3FFD];
	_ =	sdelay $0x3  }
0x96: {  	_ =	strace s2  }
0x97: {  	_ =	strace $0x8FFFFFFF  }
0x98: {  	s18 =	sld [smem:$0x3FDB];
	_ =	sdelay $0x1  }
0x99: {  	s19 =	simm.s32 $_scs_section_size  }
0x9a: {  	s4 =	simm.s32 $_size__tile_overlayer_lowered;
	s5 =	simm.s32 $_tile_overlayer_lowered  }
0x9b: {  	s22 =	simm.s32 $0x1BFF;
	s21 =	sshll.u32 s5, $0x1;
	s2 =	sadd.s32 s19, s18  }
0x9c: {  	s6 =	simm.s32 $0x0;
	s20 =	sshll.u32 s4, $0x1;
	s4 =	sadd.s32 s21, s2  }
0x9d: {  	[timem:s6], [sflag:s22] =	dma.local [hbm:s4], s20  }
0x9e: {  	_ =	swait.ge [sflag:s22], s20  }
0x9f: {  	s3 =	ssub.s32 $0x0, s20;
	[sflag:s22] =	ssyncset.done $0x0  }
0xa0: {  	[sflag:s22] =	ssyncadd.s32 s3;
	_ =	sdelay $0x1  }
0xa1: {  	s23 =	simm.s32 $0x1B8B  }
0xa2: {  	_ =	swait.ge [sflag:s23], $0x1  }
0xa3: {  	[sflag:s23] =	ssyncset.done $0x0  }
0xa4: {  	s25 =	simm.s32 $0x1B8E;
	s24 =	sld [smem:$0x3FFE];
	[sflag:s23] =	ssyncadd.s32 $0xFFFFFFFF  }
0xa5: {  	s26 =	simm.s32 $execute0_lowered;
	[smem:$0x3FD2] =	sst s25  }
0xa6: {  	s4 =	sshll.u32 s26, $0x1;
	_ =	strace $0x80000049;
	[dreg:$0x1] =	wrdreg $0xFFFFFFFF  }
0xa7: {  	s28 =	simm.s32 $_size_execute0_lowered;
	s2 =	sadd.s32 s2, s4;
	[dreg:$0x0] =	wrdreg $0x0  }
0xa8: {  	s4 =	sshll.u32 s28, $0x1;
	[dreg:$0x2] =	wrdreg s2  }
0xa9: {  	[dreg:$0x3] =	wrdreg s4  }
0xaa: {  	[dreg:$0x4] =	wrdreg $0xC0  }
0xab: {  	_ =	task [dreg:s6], $0x5FFFF  }
0xac: {  	[dreg:$0x1] =	wrdreg $0xFFFFFFFF  }
0xad: {  	[dreg:$0x0] =	wrdreg $0x60  }
0xae: {  	[dreg:$0x2] =	wrdreg s24  }
0xaf: {  	[dreg:$0x3] =	wrdreg $0xD0000  }
0xb0: {  	[dreg:$0x4] =	wrdreg $0x9  }
0xb1: {  	_ =	task.clear_ibuf [dreg:s6], $0x5FFFF;
	_ =	strace $0x90000049  }
0xb2: {  	s29 =	simm.s32 $0x9;
	_ =	strace $0x8000004B  }
0xb3: {  	_ =	swait.ge [sflag:s29], $0x1  }
0xb4: {  	[sflag:s29] =	ssyncadd.s32 $0xFFFFFFFF  }
0xb5: {  	_ =	strace $0x9000004B  }
0xb6: {  	_ =	sfence  }
0xb7: {  	s30 =	sld [smem:$0x0];
	_ =	sdelay $0x2  }
0xb8: {  	s31 =	sshll.u32 s1, $0xD;
	s1 =	sshrl.u32 s1, $0x2  }
0xb9: {  	s3 =	sand.u32 $0x4000, s31;
	s1 =	sadd.s32 s1, s30  }
0xba: {  	s0 =	sor.u32 s3, s0;
	s1 =	sshll.u32 s1, $0x11  }
0xbb: {  	s0 =	sor.u32 s1, s0  }
0xbc: {  	s0 =	sadd.s32 $0x8F2B, s0  }
0xbd: {  	[sflag:s0] =	ssyncadd.remote.s32 $0x1  }
0xbe: {  	_ =	sfence.sel $0xFFFF  }
0xbf: {  	[dreg:$0x0] =	wrdreg $0xFFFFFFFF;
	(pc) =	sbr.abs _section_cstart, $3  }
0xc0: {  	[dreg:$0x1] =	wrdreg $0xFFFFFFFF  }
0xc1: {  	_ =	task.clear_ibuf [dreg:s6], $0x2FFFF;
	_ =	strace $0x9FFFFFFF  }
0xc2: {  	(tm) =	ssettm $0x7FFFFFFF  }
0xc3: {  	_ =	shalt  }
tec
execute0_lowered:
.L_overlay_start_1:
0x0: {  	(tag) =	ssettag $0x1  }
0x1: {  	s0 =	srdreg.scid;
	s3 =	rddreg [dreg:$0x0]  }
0x2: {  	s9 =	stileid.u32;
	s2 =	rddreg [dreg:$0x1]  }
0x3: {  	s4 =	simm.s32 $0x0;
	s12 =	simm.s32 $0x9;
	s13 =	simm.s32 $0x2800  }
0x4: {  	s14 =	simm.s32 $0x80;
	s15 =	simm.s32 $0x5000;
	s19 =	simm.s32 $0x7000  }
0x5: {  	s23 =	simm.s32 $0x9000;
	s28 =	simm.s32 $0xB000;
	s30 =	simm.s32 $0xC000  }
0x6: {  	s31 =	simm.s32 $0x1;
	s16 =	simm.s32 $0x7;
	s17 =	simm.s32 $0x8  }
0x7: {  	s18 =	simm.s32 $0x0;
	s0 =	sand.u32 $0x1, s0;
	s5 =	smul.u32 $0x4F00, s9  }
0x8: {  	[smem:$0x7FF] =	sst s4;
	s4 =	sadd.s32 $0x1E00, s3;
	s26 =	sshll.u32 s9, $0x6  }
0x9: {  	s1 =	sshll.u32 s0, $0x4;
	s6 =	smul.u32 $0x4F000, s0;
	_ =	strace $0x8000004A  }
0xa: {  	s0 =	ssub.s32 $0x2, s0;
	s1 =	sor.u32 s9, s1;
	s7 =	sshrl.u32 s5, $0x3  }
0xb: {  	s8 =	sshrl.u32 s0, $0x1;
	s11 =	sadd.s32 s5, s2;
	s1 =	smul.u32 $0x500, s1  }
0xc: {  	s6 =	sadd.s32 s5, s6;
	s7 =	sadd.s32 s7, s3;
	s0 =	ssub.s32 s0, s8  }
.Ltmp0:
0xd: {  	s11 =	sshrl.u32 s11, $0x3;
	s6 =	sshrl.u32 s6, $0x3;
	(pc) =	sbr.rel .LBB2_1-.Ltmp0, $4  }
0xe: {  	s25 =	sadd.s32 $0xBC00, s7;
	s10 =	smax.u32 s0, $0x1;
	s0 =	simm.s32 $0x5  }
0xf: {  	s1 =	sadd.s32 s1, s3;
	s3 =	sadd.s32 s6, s3;
	[dreg:$0x3] =	wrdreg s25  }
0x10: {  	s6 =	sor.u32 $0x1C09, s26;
	s29 =	sadd.s32 $0x1F800, s1;
	s8 =	sadd.s32 $0x29800, s1  }
0x11: {  	s9 =	sadd.s32 $0x33800, s3;
	s1 =	simm.s32 $0x3;
	[dreg:$0x4] =	wrdreg s29  }
.LBB2_4:
0x12: {  	_ =	swait.ge [sflag:s17], $0x1000  }
0x13: {  	[sflag:s17] =	ssyncset.done $0x0  }
0x14: {  	[sflag:s17] =	ssyncadd.s32 $0xFFFFF000  }
0x15: {  	[spmem:s2] =	stream.indirect.scatter.add.f32 [tilespmem:s30], [sflag:$0x9], $0x20, s3, s14, $0xb8;
	[tilespmem:$0x11F00] =	vst v63  }
0x16: {  	_ =	swait.ge [sflag:s12], $0x1000  }
0x17: {  	s18 =	sadd.s32 $0x1, s18;
	[sflag:s12] =	ssyncset.done $0x0  }
0x18: {  	p0 =	sne.s32 s18, s10;
	[sflag:s12] =	ssyncadd.s32 $0xFFFFF000  }
.Ltmp1:
0x19: {  	[bflag:$0x0] =	sbarrier.arrive $0xFFFF;
	(pc) =	sbr.rel @!p0 .LBB2_5-.Ltmp1, $4  }
0x1a: {  	[hbm:s9], [sflag:s6] =	dma.local [spmem:s11], $0x9E0  }
0x1b: {  	_ =	swait.ge [sflag:s12], $0x9E0  }
0x1c: {  	[sflag:s12] =	ssyncset.done $0x0  }
0x1d: {  	[sflag:s12] =	ssyncadd.s32 $0xFFFFF620  }
.LBB2_1:
0x1e: {  	s3 =	rddreg [dreg:$0x3]  }
0x1f: {  	[spmem:s11], [sflag:s6] =	dma.local [hbm:s3], $0x9E0  }
0x20: {  	_ =	swait.ge [sflag:s12], $0x9E0  }
0x21: {  	[sflag:s12] =	ssyncset.done $0x0  }
0x22: {  	s25 =	simm.s32 $0x0;
	s5 =	rddreg [dreg:$0x4];
	[sflag:s12] =	ssyncadd.s32 $0xFFFFF620  }
0x23: {  	[tilespmem:s13], [sflag:$0x9] =	stream.linear.gather [hbm4b:s5+s25], $0x2800, $0x38;
	[tilespmem:$0x11F00] =	vst v63  }
0x24: {  	_ =	swait.ge [sflag:s12], $0x2800  }
0x25: {  	[sflag:s12] =	ssyncset.done $0x0  }
0x26: {  	[sflag:s12] =	ssyncadd.s32 $0xFFFFD800  }
0x27: {  	[tilespmem:s25], [sflag:$0x9] =	stream.linear.gather [hbm4b:s8+s25], $0x2800, $0x38;
	[tilespmem:$0x11F00] =	vst v63  }
0x28: {  	_ =	swait.ge [sflag:s12], $0x2800  }
0x29: {  	[sflag:s12] =	ssyncset.done $0x0  }
0x2a: {  	[sflag:s12] =	ssyncadd.s32 $0xFFFFD800  }
0x2b: {  	[bflag:$0x0] =	sbarrier.arrive $0xFFFF  }
0x2c: {  	[tilespmem:s15], [sflag:$0x1] =	stream.indirect.gather [hbm4b:s4+s14], $0x20, s13, s14, $0xb8;
	[tilespmem:$0x11F00] =	vst v63  }
0x2d: {  	s26 =	simm.s32 $0x2880;
	s29 =	simm.s32 $0x6000  }
0x2e: {  	[tilespmem:s29], [sflag:$0x2] =	stream.indirect.gather [hbm4b:s4+s14], $0x20, s26, s14, $0xb8;
	[tilespmem:$0x11F00] =	vst v63  }
0x2f: {  	s7 =	simm.s32 $0x2900  }
0x30: {  	[tilespmem:s19], [sflag:$0x3] =	stream.indirect.gather [hbm4b:s4+s14], $0x20, s7, s14, $0xb8;
	[tilespmem:$0x11F00] =	vst v63  }
0x31: {  	s20 =	simm.s32 $0x2980;
	s21 =	simm.s32 $0x8000  }
0x32: {  	[tilespmem:s21], [sflag:$0x4] =	stream.indirect.gather [hbm4b:s4+s14], $0x20, s20, s14, $0xb8;
	[tilespmem:$0x11F00] =	vst v63  }
0x33: {  	s22 =	simm.s32 $0x2A00  }
0x34: {  	[tilespmem:s23], [sflag:$0x5] =	stream.indirect.gather [hbm4b:s4+s14], $0x20, s22, s14, $0xb8;
	[tilespmem:$0x11F00] =	vst v63  }
0x35: {  	s24 =	simm.s32 $0x2A80;
	s25 =	simm.s32 $0xA000  }
0x36: {  	[tilespmem:s25], [sflag:$0x6] =	stream.indirect.gather [hbm4b:s4+s14], $0x20, s24, s14, $0xb8;
	[tilespmem:$0x11F00] =	vst v63  }
0x37: {  	s26 =	simm.s32 $0x2B00  }
0x38: {  	[tilespmem:s28], [sflag:$0x7] =	stream.indirect.gather [hbm4b:s4+s14], $0x20, s26, s14, $0xb8;
	[tilespmem:$0x11F00] =	vst v63  }
0x39: {  	s29 =	simm.s32 $0x2B80;
	s20 =	simm.s32 $0x0  }
0x3a: {  	[tilespmem:s30], [sflag:$0x8] =	stream.indirect.gather [hbm4b:s4+s14], $0x20, s29, s14, $0xb8;
	[tilespmem:$0x11F00] =	vst v63  }
.LBB2_2:
0x3b: {  	_ =	swait.ge [sflag:s31], $0x1000  }
0x3c: {  	[sflag:s31] =	ssyncset.done $0x0  }
0x3d: {  	s21 =	sshra.s32 s20, $0x2;
	[sflag:s31] =	ssyncadd.s32 $0xFFFFF000  }
0x3e: {  	[spmem:s2] =	stream.indirect.scatter.add.f32 [tilespmem:s15], [sflag:$0x9], $0x20, s21, s14, $0xb8;
	[tilespmem:$0x11F00] =	vst v63  }
0x3f: {  	_ =	swait.ge [sflag:s12], $0x1000  }
0x40: {  	p0 =	seq.s32 s20, $0x9000;
	[sflag:s12] =	ssyncset.done $0x0  }
0x41: {  	s3 =	simm.s32 @p0 $0x2;
	[sflag:s12] =	ssyncadd.s32 $0xFFFFF000  }
0x42: {  	s25 =	sshra.s32 @p0 s20, $0x2;
	_ =	swait.ge @p0 [sflag:s3], $0x1000  }
0x43: {  	s26 =	simm.s32 @p0 $0x80;
	s22 =	simm.s32 @p0 $0x6000;
	[sflag:s3] =	ssyncset.done @p0 $0x0  }
0x44: {  	s29 =	simm.s32 @p0 $0x9;
	[sflag:s3] =	ssyncadd.s32 @p0 $0xFFFFF000;
	s3 =	sadd.s32 @p0 $0x80, s25  }
0x45: {  	[spmem:s2] =	stream.indirect.scatter.add.f32 @p0 [tilespmem:s22], [sflag:$0x9], $0x20, s3, s26, $0xb8;
	[tilespmem:$0x11F00] =	vst v63  }
0x46: {  	_ =	swait.ge @p0 [sflag:s29], $0x1000  }
0x47: {  	s24 =	simm.s32 @!p0 $0x80;
	s22 =	sshra.s32 @!p0 s20, $0x2;
	[sflag:s29] =	ssyncset.done @p0 $0x0  }
0x48: {  	s5 =	simm.s32 @!p0 $0x5000;
	s3 =	sadd.s32 @!p0 $0x2C00, s22;
	[sflag:s29] =	ssyncadd.s32 @p0 $0xFFFFF000  }
0x49: {  	[tilespmem:s5], [sflag:$0x1] =	stream.indirect.gather @!p0 [hbm4b:s4+s24], $0x20, s3, s24, $0xb8;
	[tilespmem:$0x11F00] =	vst v63  }
0x4a: {  	s3 =	simm.s32 @!p0 $0x2  }
0x4b: {  	_ =	swait.ge @!p0 [sflag:s3], $0x1000  }
0x4c: {  	[sflag:s3] =	ssyncset.done @!p0 $0x0  }
0x4d: {  	s5 =	simm.s32 @!p0 $0x6000;
	[sflag:s3] =	ssyncadd.s32 @!p0 $0xFFFFF000;
	s3 =	sadd.s32 @!p0 $0x80, s22  }
0x4e: {  	[spmem:s2] =	stream.indirect.scatter.add.f32 @!p0 [tilespmem:s5], [sflag:$0x9], $0x20, s3, s24, $0xb8;
	[tilespmem:$0x11F00] =	vst v63  }
0x4f: {  	s3 =	simm.s32 @!p0 $0x9  }
0x50: {  	_ =	swait.ge @!p0 [sflag:s3], $0x1000  }
0x51: {  	[sflag:s3] =	ssyncset.done @!p0 $0x0  }
0x52: {  	s7 =	sadd.s32 @!p0 $0x2C80, s22;
	[sflag:s3] =	ssyncadd.s32 @!p0 $0xFFFFF000  }
0x53: {  	[tilespmem:s5], [sflag:$0x2] =	stream.indirect.gather @!p0 [hbm4b:s4+s24], $0x20, s7, s24, $0xb8;
	[tilespmem:$0x11F00] =	vst v63  }
0x54: {  	_ =	swait.ge [sflag:s1], $0x1000  }
0x55: {  	[sflag:s1] =	ssyncset.done $0x0  }
0x56: {  	s7 =	sadd.s32 $0x100, s21;
	[sflag:s1] =	ssyncadd.s32 $0xFFFFF000  }
0x57: {  	[spmem:s2] =	stream.indirect.scatter.add.f32 [tilespmem:s19], [sflag:$0x9], $0x20, s7, s14, $0xb8;
	[tilespmem:$0x11F00] =	vst v63  }
0x58: {  	_ =	swait.ge [sflag:s12], $0x1000  }
0x59: {  	[sflag:s12] =	ssyncset.done $0x0  }
0x5a: {  	s5 =	simm.s32 @p0 $0x4;
	[sflag:s12] =	ssyncadd.s32 $0xFFFFF000  }
0x5b: {  	_ =	swait.ge @p0 [sflag:s5], $0x1000  }
0x5c: {  	[sflag:s5] =	ssyncset.done @p0 $0x0  }
0x5d: {  	s7 =	simm.s32 @p0 $0x8000;
	[sflag:s5] =	ssyncadd.s32 @p0 $0xFFFFF000;
	s5 =	sadd.s32 @p0 $0x180, s25  }
0x5e: {  	[spmem:s2] =	stream.indirect.scatter.add.f32 @p0 [tilespmem:s7], [sflag:$0x9], $0x20, s5, s26, $0xb8;
	[tilespmem:$0x11F00] =	vst v63  }
0x5f: {  	_ =	swait.ge @p0 [sflag:s29], $0x1000  }
0x60: {  	[sflag:s29] =	ssyncset.done @p0 $0x0  }
0x61: {  	s5 =	sadd.s32 @!p0 $0x2D00, s22;
	s7 =	simm.s32 @!p0 $0x7000;
	[sflag:s29] =	ssyncadd.s32 @p0 $0xFFFFF000  }
0x62: {  	[tilespmem:s7], [sflag:$0x3] =	stream.indirect.gather @!p0 [hbm4b:s4+s24], $0x20, s5, s24, $0xb8;
	[tilespmem:$0x11F00] =	vst v63  }
0x63: {  	s5 =	simm.s32 @!p0 $0x4  }
0x64: {  	_ =	swait.ge @!p0 [sflag:s5], $0x1000  }
0x65: {  	[sflag:s5] =	ssyncset.done @!p0 $0x0  }
0x66: {  	s7 =	simm.s32 @!p0 $0x8000;
	[sflag:s5] =	ssyncadd.s32 @!p0 $0xFFFFF000;
	s5 =	sadd.s32 @!p0 $0x180, s22  }
0x67: {  	[spmem:s2] =	stream.indirect.scatter.add.f32 @!p0 [tilespmem:s7], [sflag:$0x9], $0x20, s5, s24, $0xb8;
	[tilespmem:$0x11F00] =	vst v63  }
0x68: {  	_ =	swait.ge @!p0 [sflag:s3], $0x1000  }
0x69: {  	[sflag:s3] =	ssyncset.done @!p0 $0x0  }
0x6a: {  	s5 =	sadd.s32 @!p0 $0x2D80, s22;
	[sflag:s3] =	ssyncadd.s32 @!p0 $0xFFFFF000  }
0x6b: {  	[tilespmem:s7], [sflag:$0x4] =	stream.indirect.gather @!p0 [hbm4b:s4+s24], $0x20, s5, s24, $0xb8;
	[tilespmem:$0x11F00] =	vst v63  }
0x6c: {  	_ =	swait.ge [sflag:s0], $0x1000  }
0x6d: {  	[sflag:s0] =	ssyncset.done $0x0  }
0x6e: {  	s7 =	sadd.s32 $0x200, s21;
	[sflag:s0] =	ssyncadd.s32 $0xFFFFF000  }
0x6f: {  	[spmem:s2] =	stream.indirect.scatter.add.f32 [tilespmem:s23], [sflag:$0x9], $0x20, s7, s14, $0xb8;
	[tilespmem:$0x11F00] =	vst v63  }
0x70: {  	_ =	swait.ge [sflag:s12], $0x1000  }
0x71: {  	[sflag:s12] =	ssyncset.done $0x0  }
0x72: {  	s5 =	simm.s32 @p0 $0x6;
	[sflag:s12] =	ssyncadd.s32 $0xFFFFF000  }
0x73: {  	_ =	swait.ge @p0 [sflag:s5], $0x1000  }
0x74: {  	[sflag:s5] =	ssyncset.done @p0 $0x0  }
0x75: {  	s7 =	simm.s32 @p0 $0xA000;
	[sflag:s5] =	ssyncadd.s32 @p0 $0xFFFFF000;
	s5 =	sadd.s32 @p0 $0x280, s25  }
0x76: {  	[spmem:s2] =	stream.indirect.scatter.add.f32 @p0 [tilespmem:s7], [sflag:$0x9], $0x20, s5, s26, $0xb8;
	[tilespmem:$0x11F00] =	vst v63  }
0x77: {  	_ =	swait.ge @p0 [sflag:s29], $0x1000  }
0x78: {  	[sflag:s29] =	ssyncset.done @p0 $0x0  }
0x79: {  	s5 =	sadd.s32 @!p0 $0x2E00, s22;
	s7 =	simm.s32 @!p0 $0x9000;
	[sflag:s29] =	ssyncadd.s32 @p0 $0xFFFFF000  }
0x7a: {  	[tilespmem:s7], [sflag:$0x5] =	stream.indirect.gather @!p0 [hbm4b:s4+s24], $0x20, s5, s24, $0xb8;
	[tilespmem:$0x11F00] =	vst v63  }
0x7b: {  	s5 =	simm.s32 @!p0 $0x6  }
0x7c: {  	_ =	swait.ge @!p0 [sflag:s5], $0x1000  }
0x7d: {  	[sflag:s5] =	ssyncset.done @!p0 $0x0  }
0x7e: {  	s7 =	simm.s32 @!p0 $0xA000;
	[sflag:s5] =	ssyncadd.s32 @!p0 $0xFFFFF000;
	s5 =	sadd.s32 @!p0 $0x280, s22  }
0x7f: {  	[spmem:s2] =	stream.indirect.scatter.add.f32 @!p0 [tilespmem:s7], [sflag:$0x9], $0x20, s5, s24, $0xb8;
	[tilespmem:$0x11F00] =	vst v63  }
0x80: {  	_ =	swait.ge @!p0 [sflag:s3], $0x1000  }
0x81: {  	[sflag:s3] =	ssyncset.done @!p0 $0x0  }
0x82: {  	[sflag:s3] =	ssyncadd.s32 @!p0 $0xFFFFF000;
	s3 =	sadd.s32 @!p0 $0x2E80, s22  }
0x83: {  	[tilespmem:s7], [sflag:$0x6] =	stream.indirect.gather @!p0 [hbm4b:s4+s24], $0x20, s3, s24, $0xb8;
	[tilespmem:$0x11F00] =	vst v63  }
0x84: {  	_ =	swait.ge [sflag:s16], $0x1000  }
0x85: {  	[sflag:s16] =	ssyncset.done $0x0  }
.Ltmp2:
0x86: {  	s29 =	sadd.s32 $0x300, s21;
	[sflag:s16] =	ssyncadd.s32 $0xFFFFF000;
	(pc) =	sbr.rel @p0 .LBB2_4-.Ltmp2, $4  }
0x87: {  	[spmem:s2] =	stream.indirect.scatter.add.f32 [tilespmem:s28], [sflag:$0x9], $0x20, s29, s14, $0xb8;
	[tilespmem:$0x11F00] =	vst v63  }
0x88: {  	_ =	swait.ge [sflag:s12], $0x1000  }
0x89: {  	[sflag:s12] =	ssyncset.done $0x0  }
0x8a: {  	s3 =	sadd.s32 $0x380, s21;
	[sflag:s12] =	ssyncadd.s32 $0xFFFFF000  }
0x8b: {  	s5 =	sadd.s32 $0x2F00, s21  }
0x8c: {  	[tilespmem:s28], [sflag:$0x7] =	stream.indirect.gather [hbm4b:s4+s14], $0x20, s5, s14, $0xb8;
	[tilespmem:$0x11F00] =	vst v63  }
0x8d: {  	_ =	swait.ge [sflag:s17], $0x1000  }
0x8e: {  	[sflag:s17] =	ssyncset.done $0x0  }
0x8f: {  	[sflag:s17] =	ssyncadd.s32 $0xFFFFF000  }
0x90: {  	[spmem:s2] =	stream.indirect.scatter.add.f32 [tilespmem:s30], [sflag:$0x9], $0x20, s3, s14, $0xb8;
	[tilespmem:$0x11F00] =	vst v63  }
.Ltmp3:
0x91: {  	_ = 	snop;
	(pc) =	sbr.rel .LBB2_2-.Ltmp3, $4  }
0x92: {  	_ =	swait.ge [sflag:s12], $0x1000  }
0x93: {  	[sflag:s12] =	ssyncset.done $0x0  }
0x94: {  	s29 =	sadd.s32 $0x2F80, s21;
	s20 =	sadd.s32 $0x1000, s20;
	[sflag:s12] =	ssyncadd.s32 $0xFFFFF000  }
0x95: {  	[tilespmem:s30], [sflag:$0x8] =	stream.indirect.gather [hbm4b:s4+s14], $0x20, s29, s14, $0xb8;
	[tilespmem:$0x11F00] =	vst v63  }
.LBB2_5:
0x96: {  	_ =	sfence.sel $0x180000  }
0x97: {  	[bflag:$0x0] =	sbarrier.arrive $0xFFFF  }
0x98: {  	_ =	strace $0x9000004A  }
0x99: {  	s0 =	stileid.u32;
	[bflag:$0x2] =	sbarrier.arrive $0xFFFF  }
0x9a: {  	p0 =	sne.s32 s0, $0x0;
	s0 =	rddreg [dreg:$0x2]  }
0x9b: {  	s0 =	sadd.s32 @!p0 $0x100000, s0  }
0x9c: {  	[sflag:s0] =	ssyncadd.tile.s32 @!p0 $0x1;
	_ =	shalt  }
.Lfunc_end2:
_tile_overlayer_lowered:
.L_overlay_start_2:
0x9d: {  	(tag) =	ssettag $0x2  }
0x9e: {  	s0 =	rddreg [dreg:$0x0];
	s2 =	stileid.u32  }
0x9f: {  	s1 =	rddreg [dreg:$0x1];
	p0 =	sne.s32 s2, $0x0  }
0xa0: {  	s3 =	rddreg [dreg:$0x2];
	[bflag:$0x3] =	sbarrier.arrive $0xFFFF;
	s2 =	simm.s32 @!p0 $0x1C09  }
0xa1: {  	[timem:s3], [sflag:s2] =	dma.local @!p0 [hbm:s0], s1  }
0xa2: {  	s0 =	simm.s32 @!p0 $0x9  }
0xa3: {  	_ =	swait.ge @!p0 [sflag:s0], s1  }
0xa4: {  	s1 =	ssub.s32 @!p0 $0x0, s1;
	[sflag:s0] =	ssyncset.done @!p0 $0x0  }
0xa5: {  	[sflag:s0] =	ssyncadd.s32 @!p0 s1  }
0xa6: {  	[bflag:$0x3] =	sbarrier.arrive $0xFFFF  }
0xa7: {  	_ =	shalt  }

// kernel: kernel.15.cloned.1.call-start
scs
__scs_entry_jumppad:
0x0: {  	(pc) =	sbr.rel $0x88, $3  }
0x1: {  	(tag) =	ssettag $0x0;
	lr =	simm.s32 $0x1  }
0x2: {  	[smem:$0x3F9B] =	sst lr;
	_ =	strace $0xD0000000  }
0x3: {  	_ = 	snop  }
0x4: {  	_ = 	snop  }
0x5: {  	_ = 	snop  }
0x6: {  	_ = 	snop  }
0x7: {  	_ = 	snop  }
__scs_overlays_trampoline_lowered:
0x8: {  	[smem:$0x3FAA] =	sst s0  }
0x9: {  	[smem:$0x3FAB] =	sst s1  }
0xa: {  	[smem:$0x3FAC] =	sst s2  }
0xb: {  	[smem:$0x3FAD] =	sst s3  }
0xc: {  	[smem:$0x3FAE] =	sst s4  }
0xd: {  	[smem:$0x3FAF] =	sst s5  }
0xe: {  	[smem:$0x3FB0] =	sst s6  }
0xf: {  	[smem:$0x3FB1] =	sst s7  }
0x10: {  	[smem:$0x3FB2] =	sst s8  }
0x11: {  	[smem:$0x3FB3] =	sst s9;
	s0 =	simm.s32 @!p0 $0x0  }
0x12: {  	s1 =	sld [smem:$0x3F99];
	s0 =	simm.s32 @p0 $0x1  }
0x13: {  	[smem:$0x3FB4] =	sst s0;
	s0 =	simm.s32 @!p1 $0x0  }
0x14: {  	s2 =	sld [smem:$0x3F98];
	s0 =	simm.s32 @p1 $0x1  }
0x15: {  	[smem:$0x3FB5] =	sst s0;
	s0 =	simm.s32 @!p2 $0x0  }
0x16: {  	s3 =	sld [smem:$0x3FDB];
	s0 =	simm.s32 @p2 $0x1  }
0x17: {  	s4 =	simm.s32 $0x1BF5;
	[smem:$0x3FB7] =	sst s0  }
0x18: {  	s0 =	sld [smem:$0x3F9A];
	_ =	swait.ge [sflag:s4], $0x0  }
0x19: {  	s7 =	sld [smem:$0x3F9B]  }
0x1a: {  	s8 =	sadd.s32 $0xFFFFE003, lr  }
0x1b: {  	s9 =	sadd.s32 $0xFFFFFEF7, lr;
	s5 =	simm.s32 $0xFFFFFFFF;
	p2 =	slt.u32 s8, $0xFFFFF086  }
0x1c: {  	p1 =	slt.u32 s9, $0xF7A;
	s5 =	simm.s32 @!p2 $0x0  }
0x1d: {  	s5 =	simm.s32 @p1 $0x1;
	p0 =	seq.s32 s7, s2  }
0x1e: {  	s7 =	smul.u32 @!p0 $0xF7A, s2;
	p2 =	seq.s32 @!p0 s5, $0x0  }
0x1f: {  	s9 =	smul.u32 $0xF7A, s1;
	s8 =	simm.s32 @!p0 $0x1BF5;
	p2 =	por !p2, p0  }
0x20: {  	[sflag:s8] =	ssyncset.s32 @!p0 $0xFFFFF086;
	s6 =	sadd.s32 @!p0 s3, s7;
	s7 =	simm.s32 @!p0 $0x108  }
0x21: {  	s3 =	sadd.s32 s3, s9;
	s6 =	sadd.s32 @!p0 $0x88, s6;
	s7 =	simm.s32 @p2 $0x1082  }
0x22: {  	[simem:s7], [sflag:s8] =	dma.local @!p0 [hbm:s6], $0xF7A  }
0x23: {  	s9 =	sor.u32 $0xD0000000, s2;
	s6 =	simm.s32 $0x108;
	_ =	swait.ge @!p0 [sflag:s8], $0x0  }
0x24: {  	s3 =	sadd.s32 $0x88, s3;
	s6 =	simm.s32 @!p1 $0x1082;
	[sflag:s4] =	ssyncset.s32 $0xFFFFF086  }
0x25: {  	[simem:s6], [sflag:s4] =	dma.local [hbm:s3], $0xF7A  }
0x26: {  	[smem:$0x3F9B] =	sst s1;
	(tag) =	ssettag s2;
	_ =	strace s9  }
0x27: {  	s1 =	sld [smem:$0x3FAB]  }
0x28: {  	s2 =	sld [smem:$0x3FAC]  }
0x29: {  	s4 =	sld [smem:$0x3FAE]  }
0x2a: {  	p0 =	seq.s32 s5, $0x0;
	s5 =	sld [smem:$0x3FAF]  }
0x2b: {  	s6 =	sld [smem:$0x3FB0]  }
0x2c: {  	s7 =	sld [smem:$0x3FB1]  }
0x2d: {  	s3 =	simm.s32 $0x108;
	s8 =	sld [smem:$0x3FB2]  }
0x2e: {  	s3 =	simm.s32 @!p0 $0x1082;
	s9 =	sld [smem:$0x3FB3]  }
0x2f: {  	lr =	sadd.s32 s0, s3;
	s0 =	sld [smem:$0x3FAA]  }
0x30: {  	s3 =	sld [smem:$0x3FAD]  }
0x31: {  	[smem:$0x3FB6] =	sst s10  }
0x32: {  	s10 =	sld [smem:$0x3FB4];
	_ =	sdelay $0x3  }
0x33: {  	p0 =	seq.s32 s10, $0x1;
	s10 =	sld [smem:$0x3FB6];
	_ =	sdelay $0x3  }
0x34: {  	[smem:$0x3FB6] =	sst s10  }
0x35: {  	s10 =	sld [smem:$0x3FB5];
	_ =	sdelay $0x3  }
0x36: {  	p1 =	seq.s32 s10, $0x1;
	s10 =	sld [smem:$0x3FB6];
	_ =	sdelay $0x3  }
0x37: {  	[smem:$0x3FB6] =	sst s10  }
0x38: {  	s10 =	sld [smem:$0x3FB7]  }
0x39: {  	_ = 	snop;
	(pc) =	sbr.ind lr, $3  }
0x3a: {  	_ = 	snop  }
0x3b: {  	_ = 	snop  }
0x3c: {  	p2 =	seq.s32 s10, $0x1;
	s10 =	sld [smem:$0x3FB6]  }
0x3d: {  	_ =	shalt  }
0x3e: {  	_ =	shalt  }
0x3f: {  	_ =	shalt  }
0x40: {  	_ =	shalt  }
0x41: {  	_ =	shalt  }
0x42: {  	_ =	shalt  }
0x43: {  	_ =	shalt  }
0x44: {  	_ =	shalt  }
0x45: {  	_ =	shalt  }
0x46: {  	_ =	shalt  }
0x47: {  	_ =	shalt  }
0x48: {  	_ =	shalt  }
0x49: {  	_ =	shalt  }
0x4a: {  	_ =	shalt  }
0x4b: {  	_ =	shalt  }
0x4c: {  	_ =	shalt  }
0x4d: {  	_ =	shalt  }
0x4e: {  	_ =	shalt  }
0x4f: {  	_ =	shalt  }
0x50: {  	_ =	shalt  }
0x51: {  	_ =	shalt  }
0x52: {  	_ =	shalt  }
0x53: {  	_ =	shalt  }
0x54: {  	_ =	shalt  }
0x55: {  	_ =	shalt  }
0x56: {  	_ =	shalt  }
0x57: {  	_ =	shalt  }
0x58: {  	_ =	shalt  }
0x59: {  	_ =	shalt  }
0x5a: {  	_ =	shalt  }
0x5b: {  	_ =	shalt  }
0x5c: {  	_ =	shalt  }
0x5d: {  	_ =	shalt  }
0x5e: {  	_ =	shalt  }
0x5f: {  	_ =	shalt  }
0x60: {  	_ =	shalt  }
0x61: {  	_ =	shalt  }
0x62: {  	_ =	shalt  }
0x63: {  	_ =	shalt  }
0x64: {  	_ =	shalt  }
0x65: {  	_ =	shalt  }
0x66: {  	_ =	shalt  }
0x67: {  	_ =	shalt  }
0x68: {  	_ =	shalt  }
0x69: {  	_ =	shalt  }
0x6a: {  	_ =	shalt  }
0x6b: {  	_ =	shalt  }
0x6c: {  	_ =	shalt  }
0x6d: {  	_ =	shalt  }
0x6e: {  	_ =	shalt  }
0x6f: {  	_ =	shalt  }
0x70: {  	_ =	shalt  }
0x71: {  	_ =	shalt  }
0x72: {  	_ =	shalt  }
0x73: {  	_ =	shalt  }
0x74: {  	_ =	shalt  }
0x75: {  	_ =	shalt  }
0x76: {  	_ =	shalt  }
0x77: {  	_ =	shalt  }
0x78: {  	_ =	shalt  }
0x79: {  	_ =	shalt  }
0x7a: {  	_ =	shalt  }
0x7b: {  	_ =	shalt  }
0x7c: {  	_ =	shalt  }
0x7d: {  	_ =	shalt  }
0x7e: {  	_ =	shalt  }
0x7f: {  	_ =	shalt  }
0x80: {  	_ =	shalt  }
0x81: {  	_ =	shalt  }
0x82: {  	_ =	shalt  }
0x83: {  	_ =	shalt  }
0x84: {  	_ =	shalt  }
0x85: {  	_ =	shalt  }
0x86: {  	_ =	shalt  }
0x87: {  	_ =	shalt  }
.Lfunc_end0:
.L_simem_size_0:
called_computation.2_lowered:
.L_overlay_start_0:
0x88: {  	s2 =	sld [smem:$0x3FD9]  }
0x89: {  	s3 =	sld [smem:$0x3FFE];
	_ =	sdelay $0x1  }
0x8a: {  	s1 =	srdreg.scid  }
0x8b: {  	s0 =	sand.u32 $0x1, s1  }
0x8c: {  	s17 =	sshll.u32 s0, $0xA;
	s2 =	sadd.s32 s3, s2  }
0x8d: {  	s2 =	sadd.s32 s2, s17  }
0x8e: {  	[smem:$0x3FC2] =	sst s2  }
0x8f: {  	_ = 	snop  }
0x90: {  	s2 =	sld [smem:$0x3FD0];
	(tm) =	ssettm $0x1  }
0x91: {  	s18 =	sld [smem:$0x3FFB];
	_ =	sdelay $0x3  }
0x92: {  	_ =	strace s18  }
0x93: {  	s3 =	sld [smem:$0x3FFC];
	_ =	sdelay $0x3  }
0x94: {  	_ =	strace s3  }
0x95: {  	s3 =	sld [smem:$0x3FFD];
	_ =	sdelay $0x3  }
0x96: {  	_ =	strace s3  }
0x97: {  	_ =	strace $0x8FFFFFFF  }
0x98: {  	s19 =	sld [smem:$0x3FDB];
	_ =	sdelay $0x1  }
0x99: {  	s4 =	simm.s32 $_scs_section_size  }
0x9a: {  	s5 =	simm.s32 $_size__tile_overlayer_lowered;
	s6 =	simm.s32 $_tile_overlayer_lowered  }
0x9b: {  	s22 =	simm.s32 $0x1BFF;
	s21 =	sshll.u32 s6, $0x1;
	s3 =	sadd.s32 s4, s19  }
0x9c: {  	s7 =	simm.s32 $0x0;
	s20 =	sshll.u32 s5, $0x1;
	s5 =	sadd.s32 s21, s3  }
0x9d: {  	[timem:s7], [sflag:s22] =	dma.local [hbm:s5], s20  }
0x9e: {  	_ =	swait.ge [sflag:s22], s20  }
0x9f: {  	s4 =	ssub.s32 $0x0, s20;
	[sflag:s22] =	ssyncset.done $0x0  }
0xa0: {  	[sflag:s22] =	ssyncadd.s32 s4;
	_ =	sdelay $0x1  }
0xa1: {  	s23 =	simm.s32 $0x1B8B  }
0xa2: {  	_ =	swait.ge [sflag:s23], $0x1  }
0xa3: {  	[sflag:s23] =	ssyncset.done $0x0  }
0xa4: {  	s25 =	simm.s32 $0x1B8E;
	s24 =	sld [smem:$0x3FFE];
	[sflag:s23] =	ssyncadd.s32 $0xFFFFFFFF  }
0xa5: {  	s26 =	simm.s32 $execute0_lowered;
	[smem:$0x3FD2] =	sst s25  }
0xa6: {  	s5 =	sshll.u32 s26, $0x1;
	_ =	strace $0x8000004C;
	[dreg:$0x1] =	wrdreg $0xFFFFFFFF  }
0xa7: {  	s28 =	simm.s32 $_size_execute0_lowered;
	s3 =	sadd.s32 s3, s5;
	[dreg:$0x0] =	wrdreg $0x0  }
0xa8: {  	s5 =	sshll.u32 s28, $0x1;
	[dreg:$0x2] =	wrdreg s3  }
0xa9: {  	[dreg:$0x3] =	wrdreg s5  }
0xaa: {  	[dreg:$0x4] =	wrdreg $0xC0  }
0xab: {  	_ =	task [dreg:s7], $0x5FFFF  }
0xac: {  	[dreg:$0x1] =	wrdreg $0xFFFFFFFF  }
0xad: {  	[dreg:$0x0] =	wrdreg $0x60  }
0xae: {  	[dreg:$0x2] =	wrdreg s24  }
0xaf: {  	[dreg:$0x3] =	wrdreg s2  }
0xb0: {  	[dreg:$0x4] =	wrdreg $0x90000  }
0xb1: {  	[dreg:$0x5] =	wrdreg $0x9  }
0xb2: {  	_ =	task.clear_ibuf [dreg:s7], $0x6FFFF;
	_ =	strace $0x9000004C  }
0xb3: {  	s29 =	simm.s32 $0x9;
	_ =	strace $0x8000004E  }
0xb4: {  	_ =	swait.ge [sflag:s29], $0x1  }
0xb5: {  	[sflag:s29] =	ssyncadd.s32 $0xFFFFFFFF  }
0xb6: {  	_ =	strace $0x9000004E  }
0xb7: {  	_ =	sfence  }
0xb8: {  	s30 =	sld [smem:$0x0];
	_ =	sdelay $0x2  }
0xb9: {  	s31 =	sshll.u32 s1, $0xD;
	s1 =	sshrl.u32 s1, $0x2  }
0xba: {  	s3 =	sand.u32 $0x4000, s31;
	s1 =	sadd.s32 s1, s30  }
0xbb: {  	s0 =	sor.u32 s3, s0;
	s1 =	sshll.u32 s1, $0x11  }
0xbc: {  	s0 =	sor.u32 s1, s0  }
0xbd: {  	s0 =	sadd.s32 $0x8F2B, s0  }
0xbe: {  	[sflag:s0] =	ssyncadd.remote.s32 $0x1  }
0xbf: {  	_ =	sfence.sel $0xFFFF  }
0xc0: {  	[dreg:$0x0] =	wrdreg $0xFFFFFFFF;
	(pc) =	sbr.abs _section_cstart, $3  }
0xc1: {  	[dreg:$0x1] =	wrdreg $0xFFFFFFFF  }
0xc2: {  	_ =	task.clear_ibuf [dreg:s7], $0x2FFFF;
	_ =	strace $0x9FFFFFFF  }
0xc3: {  	(tm) =	ssettm $0x7FFFFFFF  }
tec
execute0_lowered:
.L_overlay_start_1:
0x0: {  	(tag) =	ssettag $0x1  }
0x1: {  	s0 =	rddreg [dreg:$0x0]  }
0x2: {  	s1 =	rddreg [dreg:$0x1]  }
0x3: {  	s2 =	rddreg [dreg:$0x2];
	s3 =	srdreg.scid  }
0x4: {  	s9 =	stileid.u32;
	s6 =	simm.s32 $0x0;
	s12 =	simm.s32 $0x9  }
0x5: {  	s13 =	simm.s32 $0x2800;
	s14 =	simm.s32 $0x80;
	s15 =	simm.s32 $0x5000  }
0x6: {  	s19 =	simm.s32 $0x6000;
	s28 =	simm.s32 $0x8000;
	s30 =	simm.s32 $0x8800  }
0x7: {  	s31 =	simm.s32 $0x1;
	s16 =	simm.s32 $0x7;
	s17 =	simm.s32 $0x8  }
0x8: {  	s18 =	simm.s32 $0x0;
	s3 =	sand.u32 $0x1, s3;
	s5 =	smul.u32 $0x2780, s9  }
0x9: {  	[smem:$0x7FF] =	sst s6;
	s26 =	sshll.u32 s9, $0x6;
	s4 =	sshll.u32 s3, $0x4  }
0xa: {  	s23 =	smul.u32 $0x27800, s3;
	_ =	strace $0x8000004D;
	s3 =	ssub.s32 $0x2, s3  }
0xb: {  	s4 =	sor.u32 s9, s4;
	s24 =	sshrl.u32 s3, $0x1;
	s25 =	sshrl.u32 s5, $0x3  }
0xc: {  	s11 =	sadd.s32 s5, s2;
	s7 =	smul.u32 $0x500, s4;
	s4 =	sadd.s32 $0x1E00, s0  }
0xd: {  	s6 =	sadd.s32 s5, s23;
	s3 =	ssub.s32 s3, s24;
	s1 =	sadd.s32 s1, s25  }
.Ltmp0:
0xe: {  	s11 =	sshrl.u32 s11, $0x3;
	s23 =	simm.s32 $0x7000;
	(pc) =	sbr.rel .LBB2_1-.Ltmp0, $4  }
0xf: {  	s6 =	sshrl.u32 s6, $0x3;
	[dreg:$0x4] =	wrdreg s1;
	s10 =	smax.u32 s3, $0x1  }
0x10: {  	s1 =	simm.s32 $0x5;
	s8 =	sadd.s32 s7, s0;
	s0 =	sadd.s32 s6, s0  }
0x11: {  	s6 =	sor.u32 $0x1C09, s26;
	s29 =	sadd.s32 $0x1F800, s8;
	s8 =	sadd.s32 $0x29800, s8  }
0x12: {  	s9 =	sadd.s32 $0x6E00, s0;
	s0 =	simm.s32 $0x3;
	[dreg:$0x5] =	wrdreg s29  }
.LBB2_4:
0x13: {  	_ =	swait.ge [sflag:s17], $0x800  }
0x14: {  	[sflag:s17] =	ssyncset.done $0x0  }
0x15: {  	[sflag:s17] =	ssyncadd.s32 $0xFFFFF800  }
0x16: {  	[spmem:s2] =	stream.indirect.scatter.add.f32 [tilespmem:s30], [sflag:$0x9], $0x10, s3, s14, $0xb8;
	[tilespmem:$0xB780] =	vst v63  }
0x17: {  	_ =	swait.ge [sflag:s12], $0x800  }
0x18: {  	s18 =	sadd.s32 $0x1, s18;
	[sflag:s12] =	ssyncset.done $0x0  }
0x19: {  	p0 =	sne.s32 s18, s10;
	[sflag:s12] =	ssyncadd.s32 $0xFFFFF800  }
.Ltmp1:
0x1a: {  	[bflag:$0x0] =	sbarrier.arrive $0xFFFF;
	(pc) =	sbr.rel @!p0 .LBB2_5-.Ltmp1, $4  }
0x1b: {  	[hbm:s9], [sflag:s6] =	dma.local [spmem:s11], $0x4F0  }
0x1c: {  	_ =	swait.ge [sflag:s12], $0x4F0  }
0x1d: {  	[sflag:s12] =	ssyncset.done $0x0  }
0x1e: {  	[sflag:s12] =	ssyncadd.s32 $0xFFFFFB10  }
.LBB2_1:
0x1f: {  	s3 =	rddreg [dreg:$0x4]  }
0x20: {  	[spmem:s11], [sflag:s6] =	dma.local [hbm:s3], $0x4F0  }
0x21: {  	_ =	swait.ge [sflag:s12], $0x4F0  }
0x22: {  	[sflag:s12] =	ssyncset.done $0x0  }
0x23: {  	s25 =	simm.s32 $0x0;
	s5 =	rddreg [dreg:$0x5];
	[sflag:s12] =	ssyncadd.s32 $0xFFFFFB10  }
0x24: {  	[tilespmem:s13], [sflag:$0x9] =	stream.linear.gather [hbm4b:s5+s25], $0x2800, $0x38;
	[tilespmem:$0xB780] =	vst v63  }
0x25: {  	_ =	swait.ge [sflag:s12], $0x2800  }
0x26: {  	[sflag:s12] =	ssyncset.done $0x0  }
0x27: {  	[sflag:s12] =	ssyncadd.s32 $0xFFFFD800  }
0x28: {  	[tilespmem:s25], [sflag:$0x9] =	stream.linear.gather [hbm4b:s8+s25], $0x2800, $0x38;
	[tilespmem:$0xB780] =	vst v63  }
0x29: {  	_ =	swait.ge [sflag:s12], $0x2800  }
0x2a: {  	[sflag:s12] =	ssyncset.done $0x0  }
0x2b: {  	[sflag:s12] =	ssyncadd.s32 $0xFFFFD800  }
0x2c: {  	[bflag:$0x0] =	sbarrier.arrive $0xFFFF  }
0x2d: {  	[tilespmem:s15], [sflag:$0x1] =	stream.indirect.gather [hbm4b:s4+s14], $0x10, s13, s14, $0xb8;
	[tilespmem:$0xB780] =	vst v63  }
0x2e: {  	s26 =	simm.s32 $0x2880;
	s29 =	simm.s32 $0x5800  }
0x2f: {  	[tilespmem:s29], [sflag:$0x2] =	stream.indirect.gather [hbm4b:s4+s14], $0x10, s26, s14, $0xb8;
	[tilespmem:$0xB780] =	vst v63  }
0x30: {  	s7 =	simm.s32 $0x2900  }
0x31: {  	[tilespmem:s19], [sflag:$0x3] =	stream.indirect.gather [hbm4b:s4+s14], $0x10, s7, s14, $0xb8;
	[tilespmem:$0xB780] =	vst v63  }
0x32: {  	s20 =	simm.s32 $0x2980;
	s21 =	simm.s32 $0x6800  }
0x33: {  	[tilespmem:s21], [sflag:$0x4] =	stream.indirect.gather [hbm4b:s4+s14], $0x10, s20, s14, $0xb8;
	[tilespmem:$0xB780] =	vst v63  }
0x34: {  	s22 =	simm.s32 $0x2A00  }
0x35: {  	[tilespmem:s23], [sflag:$0x5] =	stream.indirect.gather [hbm4b:s4+s14], $0x10, s22, s14, $0xb8;
	[tilespmem:$0xB780] =	vst v63  }
0x36: {  	s24 =	simm.s32 $0x2A80;
	s25 =	simm.s32 $0x7800  }
0x37: {  	[tilespmem:s25], [sflag:$0x6] =	stream.indirect.gather [hbm4b:s4+s14], $0x10, s24, s14, $0xb8;
	[tilespmem:$0xB780] =	vst v63  }
0x38: {  	s26 =	simm.s32 $0x2B00  }
0x39: {  	[tilespmem:s28], [sflag:$0x7] =	stream.indirect.gather [hbm4b:s4+s14], $0x10, s26, s14, $0xb8;
	[tilespmem:$0xB780] =	vst v63  }
0x3a: {  	s29 =	simm.s32 $0x2B80;
	s20 =	simm.s32 $0x0  }
0x3b: {  	[tilespmem:s30], [sflag:$0x8] =	stream.indirect.gather [hbm4b:s4+s14], $0x10, s29, s14, $0xb8;
	[tilespmem:$0xB780] =	vst v63  }
.LBB2_2:
0x3c: {  	_ =	swait.ge [sflag:s31], $0x800  }
0x3d: {  	[sflag:s31] =	ssyncset.done $0x0  }
0x3e: {  	s21 =	sshra.s32 s20, $0x2;
	[sflag:s31] =	ssyncadd.s32 $0xFFFFF800  }
0x3f: {  	[spmem:s2] =	stream.indirect.scatter.add.f32 [tilespmem:s15], [sflag:$0x9], $0x10, s21, s14, $0xb8;
	[tilespmem:$0xB780] =	vst v63  }
0x40: {  	_ =	swait.ge [sflag:s12], $0x800  }
0x41: {  	p0 =	seq.s32 s20, $0x9000;
	[sflag:s12] =	ssyncset.done $0x0  }
0x42: {  	s3 =	simm.s32 @p0 $0x2;
	[sflag:s12] =	ssyncadd.s32 $0xFFFFF800  }
0x43: {  	s25 =	sshra.s32 @p0 s20, $0x2;
	_ =	swait.ge @p0 [sflag:s3], $0x800  }
0x44: {  	s26 =	simm.s32 @p0 $0x80;
	s22 =	simm.s32 @p0 $0x5800;
	[sflag:s3] =	ssyncset.done @p0 $0x0  }
0x45: {  	s29 =	simm.s32 @p0 $0x9;
	[sflag:s3] =	ssyncadd.s32 @p0 $0xFFFFF800;
	s3 =	sadd.s32 @p0 $0x80, s25  }
0x46: {  	[spmem:s2] =	stream.indirect.scatter.add.f32 @p0 [tilespmem:s22], [sflag:$0x9], $0x10, s3, s26, $0xb8;
	[tilespmem:$0xB780] =	vst v63  }
0x47: {  	_ =	swait.ge @p0 [sflag:s29], $0x800  }
0x48: {  	s24 =	simm.s32 @!p0 $0x80;
	s22 =	sshra.s32 @!p0 s20, $0x2;
	[sflag:s29] =	ssyncset.done @p0 $0x0  }
0x49: {  	s5 =	simm.s32 @!p0 $0x5000;
	s3 =	sadd.s32 @!p0 $0x2C00, s22;
	[sflag:s29] =	ssyncadd.s32 @p0 $0xFFFFF800  }
0x4a: {  	[tilespmem:s5], [sflag:$0x1] =	stream.indirect.gather @!p0 [hbm4b:s4+s24], $0x10, s3, s24, $0xb8;
	[tilespmem:$0xB780] =	vst v63  }
0x4b: {  	s3 =	simm.s32 @!p0 $0x2  }
0x4c: {  	_ =	swait.ge @!p0 [sflag:s3], $0x800  }
0x4d: {  	[sflag:s3] =	ssyncset.done @!p0 $0x0  }
0x4e: {  	s5 =	simm.s32 @!p0 $0x5800;
	[sflag:s3] =	ssyncadd.s32 @!p0 $0xFFFFF800;
	s3 =	sadd.s32 @!p0 $0x80, s22  }
0x4f: {  	[spmem:s2] =	stream.indirect.scatter.add.f32 @!p0 [tilespmem:s5], [sflag:$0x9], $0x10, s3, s24, $0xb8;
	[tilespmem:$0xB780] =	vst v63  }
0x50: {  	s3 =	simm.s32 @!p0 $0x9  }
0x51: {  	_ =	swait.ge @!p0 [sflag:s3], $0x800  }
0x52: {  	[sflag:s3] =	ssyncset.done @!p0 $0x0  }
0x53: {  	s7 =	sadd.s32 @!p0 $0x2C80, s22;
	[sflag:s3] =	ssyncadd.s32 @!p0 $0xFFFFF800  }
0x54: {  	[tilespmem:s5], [sflag:$0x2] =	stream.indirect.gather @!p0 [hbm4b:s4+s24], $0x10, s7, s24, $0xb8;
	[tilespmem:$0xB780] =	vst v63  }
0x55: {  	_ =	swait.ge [sflag:s0], $0x800  }
0x56: {  	[sflag:s0] =	ssyncset.done $0x0  }
0x57: {  	s7 =	sadd.s32 $0x100, s21;
	[sflag:s0] =	ssyncadd.s32 $0xFFFFF800  }
0x58: {  	[spmem:s2] =	stream.indirect.scatter.add.f32 [tilespmem:s19], [sflag:$0x9], $0x10, s7, s14, $0xb8;
	[tilespmem:$0xB780] =	vst v63  }
0x59: {  	_ =	swait.ge [sflag:s12], $0x800  }
0x5a: {  	[sflag:s12] =	ssyncset.done $0x0  }
0x5b: {  	s5 =	simm.s32 @p0 $0x4;
	[sflag:s12] =	ssyncadd.s32 $0xFFFFF800  }
0x5c: {  	_ =	swait.ge @p0 [sflag:s5], $0x800  }
0x5d: {  	[sflag:s5] =	ssyncset.done @p0 $0x0  }
0x5e: {  	s7 =	simm.s32 @p0 $0x6800;
	[sflag:s5] =	ssyncadd.s32 @p0 $0xFFFFF800;
	s5 =	sadd.s32 @p0 $0x180, s25  }
0x5f: {  	[spmem:s2] =	stream.indirect.scatter.add.f32 @p0 [tilespmem:s7], [sflag:$0x9], $0x10, s5, s26, $0xb8;
	[tilespmem:$0xB780] =	vst v63  }
0x60: {  	_ =	swait.ge @p0 [sflag:s29], $0x800  }
0x61: {  	[sflag:s29] =	ssyncset.done @p0 $0x0  }
0x62: {  	s5 =	sadd.s32 @!p0 $0x2D00, s22;
	s7 =	simm.s32 @!p0 $0x6000;
	[sflag:s29] =	ssyncadd.s32 @p0 $0xFFFFF800  }
0x63: {  	[tilespmem:s7], [sflag:$0x3] =	stream.indirect.gather @!p0 [hbm4b:s4+s24], $0x10, s5, s24, $0xb8;
	[tilespmem:$0xB780] =	vst v63  }
0x64: {  	s5 =	simm.s32 @!p0 $0x4  }
0x65: {  	_ =	swait.ge @!p0 [sflag:s5], $0x800  }
0x66: {  	[sflag:s5] =	ssyncset.done @!p0 $0x0  }
0x67: {  	s7 =	simm.s32 @!p0 $0x6800;
	[sflag:s5] =	ssyncadd.s32 @!p0 $0xFFFFF800;
	s5 =	sadd.s32 @!p0 $0x180, s22  }
0x68: {  	[spmem:s2] =	stream.indirect.scatter.add.f32 @!p0 [tilespmem:s7], [sflag:$0x9], $0x10, s5, s24, $0xb8;
	[tilespmem:$0xB780] =	vst v63  }
0x69: {  	_ =	swait.ge @!p0 [sflag:s3], $0x800  }
0x6a: {  	[sflag:s3] =	ssyncset.done @!p0 $0x0  }
0x6b: {  	s5 =	sadd.s32 @!p0 $0x2D80, s22;
	[sflag:s3] =	ssyncadd.s32 @!p0 $0xFFFFF800  }
0x6c: {  	[tilespmem:s7], [sflag:$0x4] =	stream.indirect.gather @!p0 [hbm4b:s4+s24], $0x10, s5, s24, $0xb8;
	[tilespmem:$0xB780] =	vst v63  }
0x6d: {  	_ =	swait.ge [sflag:s1], $0x800  }
0x6e: {  	[sflag:s1] =	ssyncset.done $0x0  }
0x6f: {  	s7 =	sadd.s32 $0x200, s21;
	[sflag:s1] =	ssyncadd.s32 $0xFFFFF800  }
0x70: {  	[spmem:s2] =	stream.indirect.scatter.add.f32 [tilespmem:s23], [sflag:$0x9], $0x10, s7, s14, $0xb8;
	[tilespmem:$0xB780] =	vst v63  }
0x71: {  	_ =	swait.ge [sflag:s12], $0x800  }
0x72: {  	[sflag:s12] =	ssyncset.done $0x0  }
0x73: {  	s5 =	simm.s32 @p0 $0x6;
	[sflag:s12] =	ssyncadd.s32 $0xFFFFF800  }
0x74: {  	_ =	swait.ge @p0 [sflag:s5], $0x800  }
0x75: {  	[sflag:s5] =	ssyncset.done @p0 $0x0  }
0x76: {  	s7 =	simm.s32 @p0 $0x7800;
	[sflag:s5] =	ssyncadd.s32 @p0 $0xFFFFF800;
	s5 =	sadd.s32 @p0 $0x280, s25  }
0x77: {  	[spmem:s2] =	stream.indirect.scatter.add.f32 @p0 [tilespmem:s7], [sflag:$0x9], $0x10, s5, s26, $0xb8;
	[tilespmem:$0xB780] =	vst v63  }
0x78: {  	_ =	swait.ge @p0 [sflag:s29], $0x800  }
0x79: {  	[sflag:s29] =	ssyncset.done @p0 $0x0  }
0x7a: {  	s5 =	sadd.s32 @!p0 $0x2E00, s22;
	s7 =	simm.s32 @!p0 $0x7000;
	[sflag:s29] =	ssyncadd.s32 @p0 $0xFFFFF800  }
0x7b: {  	[tilespmem:s7], [sflag:$0x5] =	stream.indirect.gather @!p0 [hbm4b:s4+s24], $0x10, s5, s24, $0xb8;
	[tilespmem:$0xB780] =	vst v63  }
0x7c: {  	s5 =	simm.s32 @!p0 $0x6  }
0x7d: {  	_ =	swait.ge @!p0 [sflag:s5], $0x800  }
0x7e: {  	[sflag:s5] =	ssyncset.done @!p0 $0x0  }
0x7f: {  	s7 =	simm.s32 @!p0 $0x7800;
	[sflag:s5] =	ssyncadd.s32 @!p0 $0xFFFFF800;
	s5 =	sadd.s32 @!p0 $0x280, s22  }
0x80: {  	[spmem:s2] =	stream.indirect.scatter.add.f32 @!p0 [tilespmem:s7], [sflag:$0x9], $0x10, s5, s24, $0xb8;
	[tilespmem:$0xB780] =	vst v63  }
0x81: {  	_ =	swait.ge @!p0 [sflag:s3], $0x800  }
0x82: {  	[sflag:s3] =	ssyncset.done @!p0 $0x0  }
0x83: {  	[sflag:s3] =	ssyncadd.s32 @!p0 $0xFFFFF800;
	s3 =	sadd.s32 @!p0 $0x2E80, s22  }
0x84: {  	[tilespmem:s7], [sflag:$0x6] =	stream.indirect.gather @!p0 [hbm4b:s4+s24], $0x10, s3, s24, $0xb8;
	[tilespmem:$0xB780] =	vst v63  }
0x85: {  	_ =	swait.ge [sflag:s16], $0x800  }
0x86: {  	[sflag:s16] =	ssyncset.done $0x0  }
.Ltmp2:
0x87: {  	s29 =	sadd.s32 $0x300, s21;
	[sflag:s16] =	ssyncadd.s32 $0xFFFFF800;
	(pc) =	sbr.rel @p0 .LBB2_4-.Ltmp2, $4  }
0x88: {  	[spmem:s2] =	stream.indirect.scatter.add.f32 [tilespmem:s28], [sflag:$0x9], $0x10, s29, s14, $0xb8;
	[tilespmem:$0xB780] =	vst v63  }
0x89: {  	_ =	swait.ge [sflag:s12], $0x800  }
0x8a: {  	[sflag:s12] =	ssyncset.done $0x0  }
0x8b: {  	s3 =	sadd.s32 $0x380, s21;
	[sflag:s12] =	ssyncadd.s32 $0xFFFFF800  }
0x8c: {  	s5 =	sadd.s32 $0x2F00, s21  }
0x8d: {  	[tilespmem:s28], [sflag:$0x7] =	stream.indirect.gather [hbm4b:s4+s14], $0x10, s5, s14, $0xb8;
	[tilespmem:$0xB780] =	vst v63  }
0x8e: {  	_ =	swait.ge [sflag:s17], $0x800  }
0x8f: {  	[sflag:s17] =	ssyncset.done $0x0  }
0x90: {  	[sflag:s17] =	ssyncadd.s32 $0xFFFFF800  }
0x91: {  	[spmem:s2] =	stream.indirect.scatter.add.f32 [tilespmem:s30], [sflag:$0x9], $0x10, s3, s14, $0xb8;
	[tilespmem:$0xB780] =	vst v63  }
.Ltmp3:
0x92: {  	_ = 	snop;
	(pc) =	sbr.rel .LBB2_2-.Ltmp3, $4  }
0x93: {  	_ =	swait.ge [sflag:s12], $0x800  }
0x94: {  	[sflag:s12] =	ssyncset.done $0x0  }
0x95: {  	s29 =	sadd.s32 $0x2F80, s21;
	s20 =	sadd.s32 $0x1000, s20;
	[sflag:s12] =	ssyncadd.s32 $0xFFFFF800  }
0x96: {  	[tilespmem:s30], [sflag:$0x8] =	stream.indirect.gather [hbm4b:s4+s14], $0x10, s29, s14, $0xb8;
	[tilespmem:$0xB780] =	vst v63  }
.LBB2_5:
0x97: {  	_ =	sfence.sel $0x180000  }
0x98: {  	[bflag:$0x0] =	sbarrier.arrive $0xFFFF  }
0x99: {  	_ =	strace $0x9000004D  }
0x9a: {  	s0 =	stileid.u32;
	[bflag:$0x2] =	sbarrier.arrive $0xFFFF  }
0x9b: {  	p0 =	sne.s32 s0, $0x0;
	s0 =	rddreg [dreg:$0x3]  }
0x9c: {  	s0 =	sadd.s32 @!p0 $0x100000, s0  }
0x9d: {  	[sflag:s0] =	ssyncadd.tile.s32 @!p0 $0x1;
	_ =	shalt  }
.Lfunc_end2:
_tile_overlayer_lowered:
.L_overlay_start_2:
0x9e: {  	(tag) =	ssettag $0x2  }
0x9f: {  	s0 =	rddreg [dreg:$0x0];
	s2 =	stileid.u32  }
0xa0: {  	s1 =	rddreg [dreg:$0x1];
	p0 =	sne.s32 s2, $0x0  }
0xa1: {  	s3 =	rddreg [dreg:$0x2];
	[bflag:$0x3] =	sbarrier.arrive $0xFFFF;
	s2 =	simm.s32 @!p0 $0x1C09  }
0xa2: {  	[timem:s3], [sflag:s2] =	dma.local @!p0 [hbm:s0], s1  }
0xa3: {  	s0 =	simm.s32 @!p0 $0x9  }
0xa4: {  	_ =	swait.ge @!p0 [sflag:s0], s1  }
0xa5: {  	s1 =	ssub.s32 @!p0 $0x0, s1;
	[sflag:s0] =	ssyncset.done @!p0 $0x0  }
0xa6: {  	[sflag:s0] =	ssyncadd.s32 @!p0 s1  }
0xa7: {  	[bflag:$0x3] =	sbarrier.arrive $0xFFFF  }
0xa8: {  	_ =	shalt  }

// kernel: kernel.9.cloned.1.call-start
scs
__scs_entry_jumppad:
0x0: {  	(pc) =	sbr.rel $0x88, $3  }
0x1: {  	(tag) =	ssettag $0x0;
	lr =	simm.s32 $0x1  }
0x2: {  	[smem:$0x3F9B] =	sst lr;
	_ =	strace $0xD0000000  }
0x3: {  	_ = 	snop  }
0x4: {  	_ = 	snop  }
0x5: {  	_ = 	snop  }
0x6: {  	_ = 	snop  }
0x7: {  	_ = 	snop  }
__scs_overlays_trampoline_lowered:
0x8: {  	[smem:$0x3FAA] =	sst s0  }
0x9: {  	[smem:$0x3FAB] =	sst s1  }
0xa: {  	[smem:$0x3FAC] =	sst s2  }
0xb: {  	[smem:$0x3FAD] =	sst s3  }
0xc: {  	[smem:$0x3FAE] =	sst s4  }
0xd: {  	[smem:$0x3FAF] =	sst s5  }
0xe: {  	[smem:$0x3FB0] =	sst s6  }
0xf: {  	[smem:$0x3FB1] =	sst s7  }
0x10: {  	[smem:$0x3FB2] =	sst s8  }
0x11: {  	[smem:$0x3FB3] =	sst s9;
	s0 =	simm.s32 @!p0 $0x0  }
0x12: {  	s1 =	sld [smem:$0x3F99];
	s0 =	simm.s32 @p0 $0x1  }
0x13: {  	[smem:$0x3FB4] =	sst s0;
	s0 =	simm.s32 @!p1 $0x0  }
0x14: {  	s2 =	sld [smem:$0x3F98];
	s0 =	simm.s32 @p1 $0x1  }
0x15: {  	[smem:$0x3FB5] =	sst s0;
	s0 =	simm.s32 @!p2 $0x0  }
0x16: {  	s3 =	sld [smem:$0x3FDB];
	s0 =	simm.s32 @p2 $0x1  }
0x17: {  	s4 =	simm.s32 $0x1BF5;
	[smem:$0x3FB7] =	sst s0  }
0x18: {  	s0 =	sld [smem:$0x3F9A];
	_ =	swait.ge [sflag:s4], $0x0  }
0x19: {  	s7 =	sld [smem:$0x3F9B]  }
0x1a: {  	s8 =	sadd.s32 $0xFFFFE003, lr  }
0x1b: {  	s9 =	sadd.s32 $0xFFFFFEF7, lr;
	s5 =	simm.s32 $0xFFFFFFFF;
	p2 =	slt.u32 s8, $0xFFFFF086  }
0x1c: {  	p1 =	slt.u32 s9, $0xF7A;
	s5 =	simm.s32 @!p2 $0x0  }
0x1d: {  	s5 =	simm.s32 @p1 $0x1;
	p0 =	seq.s32 s7, s2  }
0x1e: {  	s7 =	smul.u32 @!p0 $0xF7A, s2;
	p2 =	seq.s32 @!p0 s5, $0x0  }
0x1f: {  	s9 =	smul.u32 $0xF7A, s1;
	s8 =	simm.s32 @!p0 $0x1BF5;
	p2 =	por !p2, p0  }
0x20: {  	[sflag:s8] =	ssyncset.s32 @!p0 $0xFFFFF086;
	s6 =	sadd.s32 @!p0 s3, s7;
	s7 =	simm.s32 @!p0 $0x108  }
0x21: {  	s3 =	sadd.s32 s3, s9;
	s6 =	sadd.s32 @!p0 $0x88, s6;
	s7 =	simm.s32 @p2 $0x1082  }
0x22: {  	[simem:s7], [sflag:s8] =	dma.local @!p0 [hbm:s6], $0xF7A  }
0x23: {  	s9 =	sor.u32 $0xD0000000, s2;
	s6 =	simm.s32 $0x108;
	_ =	swait.ge @!p0 [sflag:s8], $0x0  }
0x24: {  	s3 =	sadd.s32 $0x88, s3;
	s6 =	simm.s32 @!p1 $0x1082;
	[sflag:s4] =	ssyncset.s32 $0xFFFFF086  }
0x25: {  	[simem:s6], [sflag:s4] =	dma.local [hbm:s3], $0xF7A  }
0x26: {  	[smem:$0x3F9B] =	sst s1;
	(tag) =	ssettag s2;
	_ =	strace s9  }
0x27: {  	s1 =	sld [smem:$0x3FAB]  }
0x28: {  	s2 =	sld [smem:$0x3FAC]  }
0x29: {  	s4 =	sld [smem:$0x3FAE]  }
0x2a: {  	p0 =	seq.s32 s5, $0x0;
	s5 =	sld [smem:$0x3FAF]  }
0x2b: {  	s6 =	sld [smem:$0x3FB0]  }
0x2c: {  	s7 =	sld [smem:$0x3FB1]  }
0x2d: {  	s3 =	simm.s32 $0x108;
	s8 =	sld [smem:$0x3FB2]  }
0x2e: {  	s3 =	simm.s32 @!p0 $0x1082;
	s9 =	sld [smem:$0x3FB3]  }
0x2f: {  	lr =	sadd.s32 s0, s3;
	s0 =	sld [smem:$0x3FAA]  }
0x30: {  	s3 =	sld [smem:$0x3FAD]  }
0x31: {  	[smem:$0x3FB6] =	sst s10  }
0x32: {  	s10 =	sld [smem:$0x3FB4];
	_ =	sdelay $0x3  }
0x33: {  	p0 =	seq.s32 s10, $0x1;
	s10 =	sld [smem:$0x3FB6];
	_ =	sdelay $0x3  }
0x34: {  	[smem:$0x3FB6] =	sst s10  }
0x35: {  	s10 =	sld [smem:$0x3FB5];
	_ =	sdelay $0x3  }
0x36: {  	p1 =	seq.s32 s10, $0x1;
	s10 =	sld [smem:$0x3FB6];
	_ =	sdelay $0x3  }
0x37: {  	[smem:$0x3FB6] =	sst s10  }
0x38: {  	s10 =	sld [smem:$0x3FB7]  }
0x39: {  	_ = 	snop;
	(pc) =	sbr.ind lr, $3  }
0x3a: {  	_ = 	snop  }
0x3b: {  	_ = 	snop  }
0x3c: {  	p2 =	seq.s32 s10, $0x1;
	s10 =	sld [smem:$0x3FB6]  }
0x3d: {  	_ =	shalt  }
0x3e: {  	_ =	shalt  }
0x3f: {  	_ =	shalt  }
0x40: {  	_ =	shalt  }
0x41: {  	_ =	shalt  }
0x42: {  	_ =	shalt  }
0x43: {  	_ =	shalt  }
0x44: {  	_ =	shalt  }
0x45: {  	_ =	shalt  }
0x46: {  	_ =	shalt  }
0x47: {  	_ =	shalt  }
0x48: {  	_ =	shalt  }
0x49: {  	_ =	shalt  }
0x4a: {  	_ =	shalt  }
0x4b: {  	_ =	shalt  }
0x4c: {  	_ =	shalt  }
0x4d: {  	_ =	shalt  }
0x4e: {  	_ =	shalt  }
0x4f: {  	_ =	shalt  }
0x50: {  	_ =	shalt  }
0x51: {  	_ =	shalt  }
0x52: {  	_ =	shalt  }
0x53: {  	_ =	shalt  }
0x54: {  	_ =	shalt  }
0x55: {  	_ =	shalt  }
0x56: {  	_ =	shalt  }
0x57: {  	_ =	shalt  }
0x58: {  	_ =	shalt  }
0x59: {  	_ =	shalt  }
0x5a: {  	_ =	shalt  }
0x5b: {  	_ =	shalt  }
0x5c: {  	_ =	shalt  }
0x5d: {  	_ =	shalt  }
0x5e: {  	_ =	shalt  }
0x5f: {  	_ =	shalt  }
0x60: {  	_ =	shalt  }
0x61: {  	_ =	shalt  }
0x62: {  	_ =	shalt  }
0x63: {  	_ =	shalt  }
0x64: {  	_ =	shalt  }
0x65: {  	_ =	shalt  }
0x66: {  	_ =	shalt  }
0x67: {  	_ =	shalt  }
0x68: {  	_ =	shalt  }
0x69: {  	_ =	shalt  }
0x6a: {  	_ =	shalt  }
0x6b: {  	_ =	shalt  }
0x6c: {  	_ =	shalt  }
0x6d: {  	_ =	shalt  }
0x6e: {  	_ =	shalt  }
0x6f: {  	_ =	shalt  }
0x70: {  	_ =	shalt  }
0x71: {  	_ =	shalt  }
0x72: {  	_ =	shalt  }
0x73: {  	_ =	shalt  }
0x74: {  	_ =	shalt  }
0x75: {  	_ =	shalt  }
0x76: {  	_ =	shalt  }
0x77: {  	_ =	shalt  }
0x78: {  	_ =	shalt  }
0x79: {  	_ =	shalt  }
0x7a: {  	_ =	shalt  }
0x7b: {  	_ =	shalt  }
0x7c: {  	_ =	shalt  }
0x7d: {  	_ =	shalt  }
0x7e: {  	_ =	shalt  }
0x7f: {  	_ =	shalt  }
0x80: {  	_ =	shalt  }
0x81: {  	_ =	shalt  }
0x82: {  	_ =	shalt  }
0x83: {  	_ =	shalt  }
0x84: {  	_ =	shalt  }
0x85: {  	_ =	shalt  }
0x86: {  	_ =	shalt  }
0x87: {  	_ =	shalt  }
.Lfunc_end0:
.L_simem_size_0:
called_computation_lowered:
.L_overlay_start_0:
0x88: {  	s2 =	sld [smem:$0x3FD9]  }
0x89: {  	s3 =	sld [smem:$0x3FFE];
	_ =	sdelay $0x1  }
0x8a: {  	s1 =	srdreg.scid  }
0x8b: {  	s0 =	sand.u32 $0x1, s1  }
0x8c: {  	s16 =	sshll.u32 s0, $0xA;
	s2 =	sadd.s32 s3, s2  }
0x8d: {  	s2 =	sadd.s32 s2, s16  }
0x8e: {  	[smem:$0x3FC2] =	sst s2  }
0x8f: {  	_ = 	snop  }
0x90: {  	(tm) =	ssettm $0x1  }
0x91: {  	s17 =	sld [smem:$0x3FFB];
	_ =	sdelay $0x3  }
0x92: {  	_ =	strace s17  }
0x93: {  	s2 =	sld [smem:$0x3FFC];
	_ =	sdelay $0x3  }
0x94: {  	_ =	strace s2  }
0x95: {  	s2 =	sld [smem:$0x3FFD];
	_ =	sdelay $0x3  }
0x96: {  	_ =	strace s2  }
0x97: {  	_ =	strace $0x8FFFFFFF  }
0x98: {  	s18 =	sld [smem:$0x3FDB];
	_ =	sdelay $0x1  }
0x99: {  	s19 =	simm.s32 $_scs_section_size  }
0x9a: {  	s4 =	simm.s32 $_size__tile_overlayer_lowered;
	s5 =	simm.s32 $_tile_overlayer_lowered  }
0x9b: {  	s22 =	simm.s32 $0x1BFF;
	s21 =	sshll.u32 s5, $0x1;
	s2 =	sadd.s32 s19, s18  }
0x9c: {  	s6 =	simm.s32 $0x0;
	s20 =	sshll.u32 s4, $0x1;
	s4 =	sadd.s32 s21, s2  }
0x9d: {  	[timem:s6], [sflag:s22] =	dma.local [hbm:s4], s20  }
0x9e: {  	_ =	swait.ge [sflag:s22], s20  }
0x9f: {  	s3 =	ssub.s32 $0x0, s20;
	[sflag:s22] =	ssyncset.done $0x0  }
0xa0: {  	[sflag:s22] =	ssyncadd.s32 s3;
	_ =	sdelay $0x1  }
0xa1: {  	s23 =	simm.s32 $0x1B8B  }
0xa2: {  	_ =	swait.ge [sflag:s23], $0x1  }
0xa3: {  	[sflag:s23] =	ssyncset.done $0x0  }
0xa4: {  	s25 =	simm.s32 $0x1B8E;
	s24 =	sld [smem:$0x3FFE];
	[sflag:s23] =	ssyncadd.s32 $0xFFFFFFFF  }
0xa5: {  	s26 =	simm.s32 $execute0_lowered;
	[smem:$0x3FD2] =	sst s25  }
0xa6: {  	s4 =	sshll.u32 s26, $0x1;
	_ =	strace $0x80000046;
	[dreg:$0x1] =	wrdreg $0xFFFFFFFF  }
0xa7: {  	s28 =	simm.s32 $_size_execute0_lowered;
	s2 =	sadd.s32 s2, s4;
	[dreg:$0x0] =	wrdreg $0x0  }
0xa8: {  	s4 =	sshll.u32 s28, $0x1;
	[dreg:$0x2] =	wrdreg s2  }
0xa9: {  	[dreg:$0x3] =	wrdreg s4  }
0xaa: {  	[dreg:$0x4] =	wrdreg $0xC0  }
0xab: {  	_ =	task [dreg:s6], $0x5FFFF  }
0xac: {  	[dreg:$0x1] =	wrdreg $0xFFFFFFFF  }
0xad: {  	[dreg:$0x0] =	wrdreg $0x60  }
0xae: {  	[dreg:$0x2] =	wrdreg s24  }
0xaf: {  	[dreg:$0x3] =	wrdreg $0x9  }
0xb0: {  	_ =	task.clear_ibuf [dreg:s6], $0x4FFFF;
	_ =	strace $0x90000046  }
0xb1: {  	s29 =	simm.s32 $0x9;
	_ =	strace $0x80000048  }
0xb2: {  	_ =	swait.ge [sflag:s29], $0x1  }
0xb3: {  	[sflag:s29] =	ssyncadd.s32 $0xFFFFFFFF  }
0xb4: {  	_ =	strace $0x90000048  }
0xb5: {  	_ =	sfence  }
0xb6: {  	s30 =	sld [smem:$0x0];
	_ =	sdelay $0x2  }
0xb7: {  	s31 =	sshll.u32 s1, $0xD;
	s1 =	sshrl.u32 s1, $0x2  }
0xb8: {  	s3 =	sand.u32 $0x4000, s31;
	s1 =	sadd.s32 s1, s30  }
0xb9: {  	s0 =	sor.u32 s3, s0;
	s1 =	sshll.u32 s1, $0x11  }
0xba: {  	s0 =	sor.u32 s1, s0  }
0xbb: {  	s0 =	sadd.s32 $0x8F2B, s0  }
0xbc: {  	[sflag:s0] =	ssyncadd.remote.s32 $0x1  }
0xbd: {  	_ =	sfence.sel $0xFFFF  }
0xbe: {  	[dreg:$0x0] =	wrdreg $0xFFFFFFFF;
	(pc) =	sbr.abs _section_cstart, $3  }
0xbf: {  	[dreg:$0x1] =	wrdreg $0xFFFFFFFF  }
0xc0: {  	_ =	task.clear_ibuf [dreg:s6], $0x2FFFF;
	_ =	strace $0x9FFFFFFF  }
0xc1: {  	(tm) =	ssettm $0x7FFFFFFF  }
tec
execute0_lowered:
.L_overlay_start_1:
0x0: {  	(tag) =	ssettag $0x1  }
0x1: {  	s0 =	srdreg.scid  }
0x2: {  	s3 =	sand.u32 $0x1, s0  }
0x3: {  	s0 =	stileid.u32;
	s1 =	sshll.u32 s3, $0x4  }
0x4: {  	s4 =	rddreg [dreg:$0x0];
	s5 =	sor.u32 s0, s1  }
0x5: {  	s2 =	simm.s32 $0x0;
	s8 =	simm.s32 $0x0;
	s6 =	smul.u32 $0x2710, s5  }
0x6: {  	[smem:$0x7FF] =	sst s2;
	s3 =	ssub.s32 $0x2, s3;
	s5 =	smul.u32 $0x500, s5  }
0x7: {  	s1 =	rddreg [dreg:$0x1];
	_ =	strace $0x80000047;
	s7 =	sshrl.u32 s3, $0x1  }
0x8: {  	s7 =	ssub.s32 s3, s7;
	s6 =	sshrl.u32 s6, $0x3;
	s5 =	sadd.s32 s5, s4  }
0x9: {  	s31 =	sadd.s32 s4, s6;
	s4 =	sadd.s32 $0x15800, s5;
	s5 =	smax.u32 s7, $0x1  }
0xa: {  	v0 =	vimm.f32 $0.0e+00;
	v1 =	vimm.f32 $1.000000000e+00;
	s6 =	simm.s32 $0x1;
	s7 =	simm.s32 $0x2710;
	s3 =	sadd.s32 $0xBA40, s31  }
.LBB2_1:
0xb: {  	[tilespmem:s2], [sflag:$0x1] =	stream.linear.gather [hbm4b:s3+s2], $0x2710, $0x38;
	[tilespmem:$0x4F10] =	vst v63  }
0xc: {  	_ =	swait.ge [sflag:s6], $0x2710  }
0xd: {  	[sflag:s6] =	ssyncset.done $0x0  }
0xe: {  	s9 =	simm.s32 $0x0;
	[sflag:s6] =	ssyncadd.s32 $0xFFFFD8F0  }
.LBB2_2:
0xf: {  	p0 =	sne.s32 s9, $0x9FC0  }
.Ltmp0:
0x10: {  	_ = 	snop;
	(pc) =	sbr.rel @p0 .LBB2_2-.Ltmp0, $3  }
0x11: {  	_ =	sdelay $0x1  }
0x12: {  	s10 =	sshra.s32 s9, $0x2  }
0x13: {  	s9 =	sadd.s32 $0x40, s9;
	[tilespmem:s10+$0x2710] =	vst v0  }
0x14: {  	s10 =	simm.s32 $0x0;
	s9 =	simm.s32 $0x40  }
.LBB2_4:
0x15: {  	p0 =	sne.s32 s9, $0x9C00;
	v2 =	vld [tilespmem:s10+$0x0];
	_ =	sdelay $0x3  }
.Ltmp1:
0x16: {  	(pc) =	sbr.rel @p0 .LBB2_4-.Ltmp1, $2  }
0x17: {  	_ =	sdelay $0x2  }
0x18: {  	s10 =	sshra.s32 s9, $0x2;
	s9 =	sadd.s32 $0x40, s9;
	[tilespmem:v2+s7+$0x0] =	vst.idx.add.f32.msk $0xffff, v1  }
0x19: {  	v2 =	vld [tilespmem:s10+$0x0];
	_ =	sdelay $0x5  }
0x1a: {  	s8 =	sadd.s32 $0x1, s8  }
0x1b: {  	p0 =	sne.s32 s8, s5  }
.Ltmp2:
0x1c: {  	[tilespmem:v2+s7+$0x0] =	vst.idx.add.f32.msk $0xffff, v1;
	(pc) =	sbr.rel @p0 .LBB2_1-.Ltmp2, $4  }
0x1d: {  	[hbm4b:s4+s2] =	stream.linear.scatter [tilespmem:s7], [sflag:$0x1], $0x2800, $0x38;
	[tilespmem:$0x4F10] =	vst v63  }
0x1e: {  	_ =	swait.ge [sflag:s6], $0x2800  }
0x1f: {  	[sflag:s6] =	ssyncset.done $0x0  }
0x20: {  	[sflag:s6] =	ssyncadd.s32 $0xFFFFD800  }
0x21: {  	_ =	sfence.sel $0x180000  }
0x22: {  	[bflag:$0x0] =	sbarrier.arrive $0xFFFF  }
0x23: {  	p0 =	sne.s32 s0, $0x0;
	_ =	strace $0x90000047  }
0x24: {  	s0 =	sadd.s32 @!p0 $0x100000, s1;
	[bflag:$0x2] =	sbarrier.arrive $0xFFFF  }
0x25: {  	[sflag:s0] =	ssyncadd.tile.s32 @!p0 $0x1;
	_ =	shalt  }
.Lfunc_end2:
_tile_overlayer_lowered:
.L_overlay_start_2:
0x26: {  	(tag) =	ssettag $0x2  }
0x27: {  	s0 =	rddreg [dreg:$0x0];
	s2 =	stileid.u32  }
0x28: {  	s1 =	rddreg [dreg:$0x1];
	p0 =	sne.s32 s2, $0x0  }
0x29: {  	s3 =	rddreg [dreg:$0x2];
	[bflag:$0x3] =	sbarrier.arrive $0xFFFF;
	s2 =	simm.s32 @!p0 $0x1C01  }
0x2a: {  	[timem:s3], [sflag:s2] =	dma.local @!p0 [hbm:s0], s1  }
0x2b: {  	s0 =	simm.s32 @!p0 $0x1  }
0x2c: {  	_ =	swait.ge @!p0 [sflag:s0], s1  }
0x2d: {  	s1 =	ssub.s32 @!p0 $0x0, s1;
	[sflag:s0] =	ssyncset.done @!p0 $0x0  }
0x2e: {  	[sflag:s0] =	ssyncadd.s32 @!p0 s1  }
0x2f: {  	[bflag:$0x3] =	sbarrier.arrive $0xFFFF  }
0x30: {  	_ =	shalt  }

</sc_bundles>
